<compile_context>
chip_gen: v7x
topology: tpu7x:2x2x1
jax: 0.10.2.dev20260603
libtpu: 0.0.44.dev20260713+nightly
codegen_flags: <defaults>
</compile_context>

<pallas_src>
import functools

import jax
import jax.numpy as jnp
from jax import lax
from jax.experimental import pallas as pl
from jax.experimental.pallas import tpu as pltpu
from jax.experimental.pallas import tpu_sc as plsc


def _build(B, F, V):
    info = plsc.get_sparse_core_info()
    NC, NS, L = info.num_cores, info.num_subcores, info.num_lanes
    NW = NC * NS
    bpw = B // NW
    groups = bpw // L
    FP = 32

    mesh = plsc.VectorSubcoreMesh(core_axis_name="c", subcore_axis_name="s")

    @functools.partial(
        pl.kernel,
        out_type=jax.ShapeDtypeStruct((B,), jnp.float32),
        mesh=mesh,
        compiler_params=pltpu.CompilerParams(
            needs_layout_passes=False, use_tc_tiling_on_sc=True),
        scratch_types=[
            pltpu.VMEM((V,), jnp.float32),
            pltpu.VMEM((F, bpw), jnp.int32),
            pltpu.VMEM((bpw,), jnp.float32),
            pltpu.VMEM((FP,), jnp.int32),
            pltpu.SemaphoreType.DMA,
            pltpu.SemaphoreType.DMA,
        ],
    )
    def k(xt_hbm, tab_hbm, off_hbm, out_hbm,
          tab_v, x_v, o_v, off_v, sem_t, sem_x):
        wid = lax.axis_index("s") * NC + lax.axis_index("c")
        cp_t = pltpu.async_copy(tab_hbm, tab_v, sem_t)
        cp_x = pltpu.async_copy(xt_hbm.at[:, pl.ds(wid * bpw, bpw)], x_v, sem_x)
        pltpu.sync_copy(off_hbm, off_v)

        bias_vec = plsc.bitcast(
            plsc.load_gather(off_v, [jnp.full((L,), FP - 1, jnp.int32)]),
            jnp.float32)
        off_vecs = [
            plsc.load_gather(off_v, [jnp.full((L,), f + 1, jnp.int32)])
            for f in range(F)
        ]

        cp_x.wait()
        cp_t.wait()

        def body(g, carry):
            col = g * L
            acc = bias_vec
            for f in range(F):
                idx = x_v[f, pl.ds(col, L)] + off_vecs[f]
                acc = acc + plsc.load_gather(tab_v, [idx])
            o_v[pl.ds(col, L)] = acc
            return carry

        lax.fori_loop(0, groups, body, 0, unroll=4)
        pltpu.sync_copy(o_v, out_hbm.at[pl.ds(wid * bpw, bpw)])

    return k


def kernel(x, table, offsets, bias):
    B, F = x.shape
    V = table.shape[0]
    bias_bits = jax.lax.bitcast_convert_type(bias.astype(jnp.float32), jnp.int32)
    pack = (jnp.zeros((32,), jnp.int32)
            .at[1:F + 1].set(offsets.astype(jnp.int32))
            .at[31].set(bias_bits[0]))
    out = _build(B, F, V)(x.astype(jnp.int32).T, table.reshape(-1), pack)
    return out[:, None]

# --- scband reference (transcript-rebuilt; emitter-appended) ---
"""Pipeline reference for scband-direct-linear-47880295416451 (READ-ONLY COPY).

The authoritative reference and input builder live on the scoring server;
editing this copy changes nothing except your own understanding.
"""

import jax, jax.numpy as jnp
import numpy as np

FIELDS = [1000] * 26
BATCH = 16384


def setup_inputs(seed: int = 0) -> dict:
    key = jax.random.key(seed)
    k1, k2 = jax.random.split(key, 2)
    x = jax.random.randint(k1, (BATCH, len(FIELDS)), 0, 1000)
    offsets = jnp.asarray(np.concatenate([[0], np.cumsum(FIELDS)[:-1]]).astype(np.int32))
    table = jax.random.normal(k2, (int(sum(FIELDS)), 1), dtype=jnp.float32) * 0.01
    bias = jnp.zeros((1,), dtype=jnp.float32)
    return {"x": x, "table": table, "offsets": offsets, "bias": bias}


def reference(x, table, offsets, bias):
    # x: int[B, F]; add per-field offsets to index into the concatenated table
    x_off = x + offsets[None, :]
    emb = jnp.take(table, x_off, axis=0)  # [B, F, 1]
    out = jnp.sum(emb.reshape(emb.shape[0], -1), axis=1) + bias  # [B]
    return out[:, None]  # [B, 1]

if __name__ == "__main__":
    import jax
    _d = setup_inputs()
    print(jax.jit(kernel)(*tuple(_d.values())))

</pallas_src>

<mosaic_0001>
#map = affine_map<(d0, d1) -> (0, 0)>
#map1 = affine_map<(d0, d1) -> (0)>
module attributes {stable_mosaic.version = 14 : i64} {
  func.func @k(%arg0: i32, %arg1: i32, %arg2: memref<26x16384xi32, #tpu.memory_space<hbm>>, %arg3: memref<26000xf32, #tpu.memory_space<hbm>>, %arg4: memref<32xi32, #tpu.memory_space<hbm>>, %arg5: memref<16384xf32, #tpu.memory_space<hbm>>, %arg6: memref<26000xf32, #tpu.memory_space<vmem>>, %arg7: memref<26x512xi32, #tpu.memory_space<vmem>>, %arg8: memref<512xf32, #tpu.memory_space<vmem>>, %arg9: memref<32xi32, #tpu.memory_space<vmem>>, %arg10: memref<!tpu.dma_semaphore, #tpu.memory_space<semaphore_mem>>, %arg11: memref<!tpu.dma_semaphore, #tpu.memory_space<semaphore_mem>>) attributes {dimension_semantics = [#tpu.dimension_semantics<core_parallel>, #tpu.dimension_semantics<subcore_parallel>], iteration_bounds = array<i64: 2, 16>, scalar_prefetch = 0 : i64, scratch_operands = 6 : i64, tpu.core_type = #tpu.core_type<sc_vector_subcore>, window_params = [{transform_indices = #map}, {transform_indices = #map1}, {transform_indices = #map1}, {transform_indices = #map1}]} {
    %mul3A = arith.constant 2 : i32
    %mul3A_0 = arith.muli %arg1, %mul3A : i32
    %add3A = arith.addi %mul3A_0, %arg0 : i32
    tpu.enqueue_dma source(%arg3 : memref<26000xf32, #tpu.memory_space<hbm>>) target(%arg6 : memref<26000xf32, #tpu.memory_space<vmem>>) target_semaphore(%arg10 : memref<!tpu.dma_semaphore, #tpu.memory_space<semaphore_mem>>)
    %mul3A_1 = arith.constant 512 : i32
    %mul3A_2 = arith.muli %add3A, %mul3A_1 : i32
    %dma_start3A = arith.constant 0 : i32
    %dma_start3A_3 = tpu.memref_slice %arg2[%dma_start3A, %mul3A_2] : memref<26x16384xi32, #tpu.memory_space<hbm>> -> memref<26x512xi32, #tpu.memory_space<hbm>>
    %dma_start3A_4 = arith.constant 0 : i32
    %dma_start3A_5 = tpu.memref_slice %arg2[%dma_start3A_4, %mul3A_2] : memref<26x16384xi32, #tpu.memory_space<hbm>> -> memref<26x512xi32, #tpu.memory_space<hbm>>
    tpu.enqueue_dma source(%dma_start3A_5 : memref<26x512xi32, #tpu.memory_space<hbm>>) target(%arg7 : memref<26x512xi32, #tpu.memory_space<vmem>>) target_semaphore(%arg11 : memref<!tpu.dma_semaphore, #tpu.memory_space<semaphore_mem>>)
    "tpu.region"() ({
      %run_scoped3A = tpu.sem_alloc : memref<!tpu.dma_semaphore, #tpu.memory_space<semaphore_mem>>
      tpu.enqueue_dma source(%arg4 : memref<32xi32, #tpu.memory_space<hbm>>) target(%arg9 : memref<32xi32, #tpu.memory_space<vmem>>) target_semaphore(%run_scoped3A : memref<!tpu.dma_semaphore, #tpu.memory_space<semaphore_mem>>)
      tpu.wait_dma2 semaphore(%run_scoped3A : memref<!tpu.dma_semaphore, #tpu.memory_space<semaphore_mem>>) src(%arg4 : memref<32xi32, #tpu.memory_space<hbm>>) dst(%arg9 : memref<32xi32, #tpu.memory_space<vmem>>)
      tpu.yield
    }) : () -> ()
    %broadcast_in_dim3A = arith.constant 31 : i32
    %broadcast_in_dim3A_6 = vector.broadcast %broadcast_in_dim3A : i32 to vector<16xi32>
    %gather3A = tpu.vector_load_idx %arg9[%broadcast_in_dim3A_6] : memref<32xi32, #tpu.memory_space<vmem>>[vector<16xi32>], vector<16xi32>,
    %bitcast3A = vector.bitcast %gather3A : vector<16xi32> to vector<16xf32>
    %broadcast_in_dim3A_7 = arith.constant 1 : i32
    %broadcast_in_dim3A_8 = vector.broadcast %broadcast_in_dim3A_7 : i32 to vector<16xi32>
    %gather3A_9 = tpu.vector_load_idx %arg9[%broadcast_in_dim3A_8] : memref<32xi32, #tpu.memory_space<vmem>>[vector<16xi32>], vector<16xi32>,
    %broadcast_in_dim3A_10 = arith.constant 2 : i32
    %broadcast_in_dim3A_11 = vector.broadcast %broadcast_in_dim3A_10 : i32 to vector<16xi32>
    %gather3A_12 = tpu.vector_load_idx %arg9[%broadcast_in_dim3A_11] : memref<32xi32, #tpu.memory_space<vmem>>[vector<16xi32>], vector<16xi32>,
    %broadcast_in_dim3A_13 = arith.constant 3 : i32
    %broadcast_in_dim3A_14 = vector.broadcast %broadcast_in_dim3A_13 : i32 to vector<16xi32>
    %gather3A_15 = tpu.vector_load_idx %arg9[%broadcast_in_dim3A_14] : memref<32xi32, #tpu.memory_space<vmem>>[vector<16xi32>], vector<16xi32>,
    %broadcast_in_dim3A_16 = arith.constant 4 : i32
    %broadcast_in_dim3A_17 = vector.broadcast %broadcast_in_dim3A_16 : i32 to vector<16xi32>
    %gather3A_18 = tpu.vector_load_idx %arg9[%broadcast_in_dim3A_17] : memref<32xi32, #tpu.memory_space<vmem>>[vector<16xi32>], vector<16xi32>,
    %broadcast_in_dim3A_19 = arith.constant 5 : i32
    %broadcast_in_dim3A_20 = vector.broadcast %broadcast_in_dim3A_19 : i32 to vector<16xi32>
    %gather3A_21 = tpu.vector_load_idx %arg9[%broadcast_in_dim3A_20] : memref<32xi32, #tpu.memory_space<vmem>>[vector<16xi32>], vector<16xi32>,
    %broadcast_in_dim3A_22 = arith.constant 6 : i32
    %broadcast_in_dim3A_23 = vector.broadcast %broadcast_in_dim3A_22 : i32 to vector<16xi32>
    %gather3A_24 = tpu.vector_load_idx %arg9[%broadcast_in_dim3A_23] : memref<32xi32, #tpu.memory_space<vmem>>[vector<16xi32>], vector<16xi32>,
    %broadcast_in_dim3A_25 = arith.constant 7 : i32
    %broadcast_in_dim3A_26 = vector.broadcast %broadcast_in_dim3A_25 : i32 to vector<16xi32>
    %gather3A_27 = tpu.vector_load_idx %arg9[%broadcast_in_dim3A_26] : memref<32xi32, #tpu.memory_space<vmem>>[vector<16xi32>], vector<16xi32>,
    %broadcast_in_dim3A_28 = arith.constant 8 : i32
    %broadcast_in_dim3A_29 = vector.broadcast %broadcast_in_dim3A_28 : i32 to vector<16xi32>
    %gather3A_30 = tpu.vector_load_idx %arg9[%broadcast_in_dim3A_29] : memref<32xi32, #tpu.memory_space<vmem>>[vector<16xi32>], vector<16xi32>,
    %broadcast_in_dim3A_31 = arith.constant 9 : i32
    %broadcast_in_dim3A_32 = vector.broadcast %broadcast_in_dim3A_31 : i32 to vector<16xi32>
    %gather3A_33 = tpu.vector_load_idx %arg9[%broadcast_in_dim3A_32] : memref<32xi32, #tpu.memory_space<vmem>>[vector<16xi32>], vector<16xi32>,
    %broadcast_in_dim3A_34 = arith.constant 10 : i32
    %broadcast_in_dim3A_35 = vector.broadcast %broadcast_in_dim3A_34 : i32 to vector<16xi32>
    %gather3A_36 = tpu.vector_load_idx %arg9[%broadcast_in_dim3A_35] : memref<32xi32, #tpu.memory_space<vmem>>[vector<16xi32>], vector<16xi32>,
    %broadcast_in_dim3A_37 = arith.constant 11 : i32
    %broadcast_in_dim3A_38 = vector.broadcast %broadcast_in_dim3A_37 : i32 to vector<16xi32>
    %gather3A_39 = tpu.vector_load_idx %arg9[%broadcast_in_dim3A_38] : memref<32xi32, #tpu.memory_space<vmem>>[vector<16xi32>], vector<16xi32>,
    %broadcast_in_dim3A_40 = arith.constant 12 : i32
    %broadcast_in_dim3A_41 = vector.broadcast %broadcast_in_dim3A_40 : i32 to vector<16xi32>
    %gather3A_42 = tpu.vector_load_idx %arg9[%broadcast_in_dim3A_41] : memref<32xi32, #tpu.memory_space<vmem>>[vector<16xi32>], vector<16xi32>,
    %broadcast_in_dim3A_43 = arith.constant 13 : i32
    %broadcast_in_dim3A_44 = vector.broadcast %broadcast_in_dim3A_43 : i32 to vector<16xi32>
    %gather3A_45 = tpu.vector_load_idx %arg9[%broadcast_in_dim3A_44] : memref<32xi32, #tpu.memory_space<vmem>>[vector<16xi32>], vector<16xi32>,
    %broadcast_in_dim3A_46 = arith.constant 14 : i32
    %broadcast_in_dim3A_47 = vector.broadcast %broadcast_in_dim3A_46 : i32 to vector<16xi32>
    %gather3A_48 = tpu.vector_load_idx %arg9[%broadcast_in_dim3A_47] : memref<32xi32, #tpu.memory_space<vmem>>[vector<16xi32>], vector<16xi32>,
    %broadcast_in_dim3A_49 = arith.constant 15 : i32
    %broadcast_in_dim3A_50 = vector.broadcast %broadcast_in_dim3A_49 : i32 to vector<16xi32>
    %gather3A_51 = tpu.vector_load_idx %arg9[%broadcast_in_dim3A_50] : memref<32xi32, #tpu.memory_space<vmem>>[vector<16xi32>], vector<16xi32>,
    %broadcast_in_dim3A_52 = arith.constant 16 : i32
    %broadcast_in_dim3A_53 = vector.broadcast %broadcast_in_dim3A_52 : i32 to vector<16xi32>
    %gather3A_54 = tpu.vector_load_idx %arg9[%broadcast_in_dim3A_53] : memref<32xi32, #tpu.memory_space<vmem>>[vector<16xi32>], vector<16xi32>,
    %broadcast_in_dim3A_55 = arith.constant 17 : i32
    %broadcast_in_dim3A_56 = vector.broadcast %broadcast_in_dim3A_55 : i32 to vector<16xi32>
    %gather3A_57 = tpu.vector_load_idx %arg9[%broadcast_in_dim3A_56] : memref<32xi32, #tpu.memory_space<vmem>>[vector<16xi32>], vector<16xi32>,
    %broadcast_in_dim3A_58 = arith.constant 18 : i32
    %broadcast_in_dim3A_59 = vector.broadcast %broadcast_in_dim3A_58 : i32 to vector<16xi32>
    %gather3A_60 = tpu.vector_load_idx %arg9[%broadcast_in_dim3A_59] : memref<32xi32, #tpu.memory_space<vmem>>[vector<16xi32>], vector<16xi32>,
    %broadcast_in_dim3A_61 = arith.constant 19 : i32
    %broadcast_in_dim3A_62 = vector.broadcast %broadcast_in_dim3A_61 : i32 to vector<16xi32>
    %gather3A_63 = tpu.vector_load_idx %arg9[%broadcast_in_dim3A_62] : memref<32xi32, #tpu.memory_space<vmem>>[vector<16xi32>], vector<16xi32>,
    %broadcast_in_dim3A_64 = arith.constant 20 : i32
    %broadcast_in_dim3A_65 = vector.broadcast %broadcast_in_dim3A_64 : i32 to vector<16xi32>
    %gather3A_66 = tpu.vector_load_idx %arg9[%broadcast_in_dim3A_65] : memref<32xi32, #tpu.memory_space<vmem>>[vector<16xi32>], vector<16xi32>,
    %broadcast_in_dim3A_67 = arith.constant 21 : i32
    %broadcast_in_dim3A_68 = vector.broadcast %broadcast_in_dim3A_67 : i32 to vector<16xi32>
    %gather3A_69 = tpu.vector_load_idx %arg9[%broadcast_in_dim3A_68] : memref<32xi32, #tpu.memory_space<vmem>>[vector<16xi32>], vector<16xi32>,
    %broadcast_in_dim3A_70 = arith.constant 22 : i32
    %broadcast_in_dim3A_71 = vector.broadcast %broadcast_in_dim3A_70 : i32 to vector<16xi32>
    %gather3A_72 = tpu.vector_load_idx %arg9[%broadcast_in_dim3A_71] : memref<32xi32, #tpu.memory_space<vmem>>[vector<16xi32>], vector<16xi32>,
    %broadcast_in_dim3A_73 = arith.constant 23 : i32
    %broadcast_in_dim3A_74 = vector.broadcast %broadcast_in_dim3A_73 : i32 to vector<16xi32>
    %gather3A_75 = tpu.vector_load_idx %arg9[%broadcast_in_dim3A_74] : memref<32xi32, #tpu.memory_space<vmem>>[vector<16xi32>], vector<16xi32>,
    %broadcast_in_dim3A_76 = arith.constant 24 : i32
    %broadcast_in_dim3A_77 = vector.broadcast %broadcast_in_dim3A_76 : i32 to vector<16xi32>
    %gather3A_78 = tpu.vector_load_idx %arg9[%broadcast_in_dim3A_77] : memref<32xi32, #tpu.memory_space<vmem>>[vector<16xi32>], vector<16xi32>,
    %broadcast_in_dim3A_79 = arith.constant 25 : i32
    %broadcast_in_dim3A_80 = vector.broadcast %broadcast_in_dim3A_79 : i32 to vector<16xi32>
    %gather3A_81 = tpu.vector_load_idx %arg9[%broadcast_in_dim3A_80] : memref<32xi32, #tpu.memory_space<vmem>>[vector<16xi32>], vector<16xi32>,
    %broadcast_in_dim3A_82 = arith.constant 26 : i32
    %broadcast_in_dim3A_83 = vector.broadcast %broadcast_in_dim3A_82 : i32 to vector<16xi32>
    %gather3A_84 = tpu.vector_load_idx %arg9[%broadcast_in_dim3A_83] : memref<32xi32, #tpu.memory_space<vmem>>[vector<16xi32>], vector<16xi32>,
    %dma_wait3A = arith.constant 0 : i32
    %dma_wait3A_85 = tpu.memref_slice %arg2[%dma_wait3A, %mul3A_2] : memref<26x16384xi32, #tpu.memory_space<hbm>> -> memref<26x512xi32, #tpu.memory_space<hbm>>
    %dma_wait3A_86 = arith.constant 0 : i32
    %dma_wait3A_87 = tpu.memref_slice %arg2[%dma_wait3A_86, %mul3A_2] : memref<26x16384xi32, #tpu.memory_space<hbm>> -> memref<26x512xi32, #tpu.memory_space<hbm>>
    tpu.wait_dma2 semaphore(%arg11 : memref<!tpu.dma_semaphore, #tpu.memory_space<semaphore_mem>>) src(%dma_wait3A_87 : memref<26x512xi32, #tpu.memory_space<hbm>>) dst(%arg7 : memref<26x512xi32, #tpu.memory_space<vmem>>)
    tpu.wait_dma2 semaphore(%arg10 : memref<!tpu.dma_semaphore, #tpu.memory_space<semaphore_mem>>) src(%arg3 : memref<26000xf32, #tpu.memory_space<hbm>>) dst(%arg6 : memref<26000xf32, #tpu.memory_space<vmem>>)
    %scan3A = arith.constant 0 : i32
    %scan3A_88 = arith.constant 0 : i32
    %scan3A_89 = arith.constant 32 : i32
    %scan3A_90 = arith.addi %scan3A_88, %scan3A_89 : i32
    %scan3A_91 = arith.constant 4 : i32
    scf.for %scan3A_95 = %scan3A_88 to %scan3A_90 step %scan3A_91  : i32 {
      %mul3A_96 = arith.constant 16 : i32
      %mul3A_97 = arith.muli %scan3A_95, %mul3A_96 : i32
      %get3A = arith.constant 0 : i32
      %get3A_98 = arith.index_cast %get3A : i32 to index
      %get3A_99 = arith.index_cast %mul3A_97 : i32 to index
      %get3A_100 = tpu.vector_load %arg7[%get3A_98, %get3A_99] {strides = array<i32>} : memref<26x512xi32, #tpu.memory_space<vmem>>, vector<16xi32>,
      %add3A_101 = arith.addi %get3A_100, %gather3A_9 : vector<16xi32>
      %gather3A_102 = tpu.vector_load_idx %arg6[%add3A_101] : memref<26000xf32, #tpu.memory_space<vmem>>[vector<16xi32>], vector<16xf32>,
      %add3A_103 = arith.addf %bitcast3A, %gather3A_102 : vector<16xf32>
      %get3A_104 = arith.constant 1 : i32
      %get3A_105 = arith.index_cast %get3A_104 : i32 to index
      %get3A_106 = arith.index_cast %mul3A_97 : i32 to index
      %get3A_107 = tpu.vector_load %arg7[%get3A_105, %get3A_106] {strides = array<i32>} : memref<26x512xi32, #tpu.memory_space<vmem>>, vector<16xi32>,
      %add3A_108 = arith.addi %get3A_107, %gather3A_12 : vector<16xi32>
      %gather3A_109 = tpu.vector_load_idx %arg6[%add3A_108] : memref<26000xf32, #tpu.memory_space<vmem>>[vector<16xi32>], vector<16xf32>,
      %add3A_110 = arith.addf %add3A_103, %gather3A_109 : vector<16xf32>
      %get3A_111 = arith.constant 2 : i32
      %get3A_112 = arith.index_cast %get3A_111 : i32 to index
      %get3A_113 = arith.index_cast %mul3A_97 : i32 to index
      %get3A_114 = tpu.vector_load %arg7[%get3A_112, %get3A_113] {strides = array<i32>} : memref<26x512xi32, #tpu.memory_space<vmem>>, vector<16xi32>,
      %add3A_115 = arith.addi %get3A_114, %gather3A_15 : vector<16xi32>
      %gather3A_116 = tpu.vector_load_idx %arg6[%add3A_115] : memref<26000xf32, #tpu.memory_space<vmem>>[vector<16xi32>], vector<16xf32>,
      %add3A_117 = arith.addf %add3A_110, %gather3A_116 : vector<16xf32>
      %get3A_118 = arith.constant 3 : i32
      %get3A_119 = arith.index_cast %get3A_118 : i32 to index
      %get3A_120 = arith.index_cast %mul3A_97 : i32 to index
      %get3A_121 = tpu.vector_load %arg7[%get3A_119, %get3A_120] {strides = array<i32>} : memref<26x512xi32, #tpu.memory_space<vmem>>, vector<16xi32>,
      %add3A_122 = arith.addi %get3A_121, %gather3A_18 : vector<16xi32>
      %gather3A_123 = tpu.vector_load_idx %arg6[%add3A_122] : memref<26000xf32, #tpu.memory_space<vmem>>[vector<16xi32>], vector<16xf32>,
      %add3A_124 = arith.addf %add3A_117, %gather3A_123 : vector<16xf32>
      %get3A_125 = arith.constant 4 : i32
      %get3A_126 = arith.index_cast %get3A_125 : i32 to index
      %get3A_127 = arith.index_cast %mul3A_97 : i32 to index
      %get3A_128 = tpu.vector_load %arg7[%get3A_126, %get3A_127] {strides = array<i32>} : memref<26x512xi32, #tpu.memory_space<vmem>>, vector<16xi32>,
      %add3A_129 = arith.addi %get3A_128, %gather3A_21 : vector<16xi32>
      %gather3A_130 = tpu.vector_load_idx %arg6[%add3A_129] : memref<26000xf32, #tpu.memory_space<vmem>>[vector<16xi32>], vector<16xf32>,
      %add3A_131 = arith.addf %add3A_124, %gather3A_130 : vector<16xf32>
      %get3A_132 = arith.constant 5 : i32
      %get3A_133 = arith.index_cast %get3A_132 : i32 to index
      %get3A_134 = arith.index_cast %mul3A_97 : i32 to index
      %get3A_135 = tpu.vector_load %arg7[%get3A_133, %get3A_134] {strides = array<i32>} : memref<26x512xi32, #tpu.memory_space<vmem>>, vector<16xi32>,
      %add3A_136 = arith.addi %get3A_135, %gather3A_24 : vector<16xi32>
      %gather3A_137 = tpu.vector_load_idx %arg6[%add3A_136] : memref<26000xf32, #tpu.memory_space<vmem>>[vector<16xi32>], vector<16xf32>,
      %add3A_138 = arith.addf %add3A_131, %gather3A_137 : vector<16xf32>
      %get3A_139 = arith.constant 6 : i32
      %get3A_140 = arith.index_cast %get3A_139 : i32 to index
      %get3A_141 = arith.index_cast %mul3A_97 : i32 to index
      %get3A_142 = tpu.vector_load %arg7[%get3A_140, %get3A_141] {strides = array<i32>} : memref<26x512xi32, #tpu.memory_space<vmem>>, vector<16xi32>,
      %add3A_143 = arith.addi %get3A_142, %gather3A_27 : vector<16xi32>
      %gather3A_144 = tpu.vector_load_idx %arg6[%add3A_143] : memref<26000xf32, #tpu.memory_space<vmem>>[vector<16xi32>], vector<16xf32>,
      %add3A_145 = arith.addf %add3A_138, %gather3A_144 : vector<16xf32>
      %get3A_146 = arith.constant 7 : i32
      %get3A_147 = arith.index_cast %get3A_146 : i32 to index
      %get3A_148 = arith.index_cast %mul3A_97 : i32 to index
      %get3A_149 = tpu.vector_load %arg7[%get3A_147, %get3A_148] {strides = array<i32>} : memref<26x512xi32, #tpu.memory_space<vmem>>, vector<16xi32>,
      %add3A_150 = arith.addi %get3A_149, %gather3A_30 : vector<16xi32>
      %gather3A_151 = tpu.vector_load_idx %arg6[%add3A_150] : memref<26000xf32, #tpu.memory_space<vmem>>[vector<16xi32>], vector<16xf32>,
      %add3A_152 = arith.addf %add3A_145, %gather3A_151 : vector<16xf32>
      %get3A_153 = arith.constant 8 : i32
      %get3A_154 = arith.index_cast %get3A_153 : i32 to index
      %get3A_155 = arith.index_cast %mul3A_97 : i32 to index
      %get3A_156 = tpu.vector_load %arg7[%get3A_154, %get3A_155] {strides = array<i32>} : memref<26x512xi32, #tpu.memory_space<vmem>>, vector<16xi32>,
      %add3A_157 = arith.addi %get3A_156, %gather3A_33 : vector<16xi32>
      %gather3A_158 = tpu.vector_load_idx %arg6[%add3A_157] : memref<26000xf32, #tpu.memory_space<vmem>>[vector<16xi32>], vector<16xf32>,
      %add3A_159 = arith.addf %add3A_152, %gather3A_158 : vector<16xf32>
      %get3A_160 = arith.constant 9 : i32
      %get3A_161 = arith.index_cast %get3A_160 : i32 to index
      %get3A_162 = arith.index_cast %mul3A_97 : i32 to index
      %get3A_163 = tpu.vector_load %arg7[%get3A_161, %get3A_162] {strides = array<i32>} : memref<26x512xi32, #tpu.memory_space<vmem>>, vector<16xi32>,
      %add3A_164 = arith.addi %get3A_163, %gather3A_36 : vector<16xi32>
      %gather3A_165 = tpu.vector_load_idx %arg6[%add3A_164] : memref<26000xf32, #tpu.memory_space<vmem>>[vector<16xi32>], vector<16xf32>,
      %add3A_166 = arith.addf %add3A_159, %gather3A_165 : vector<16xf32>
      %get3A_167 = arith.constant 10 : i32
      %get3A_168 = arith.index_cast %get3A_167 : i32 to index
      %get3A_169 = arith.index_cast %mul3A_97 : i32 to index
      %get3A_170 = tpu.vector_load %arg7[%get3A_168, %get3A_169] {strides = array<i32>} : memref<26x512xi32, #tpu.memory_space<vmem>>, vector<16xi32>,
      %add3A_171 = arith.addi %get3A_170, %gather3A_39 : vector<16xi32>
      %gather3A_172 = tpu.vector_load_idx %arg6[%add3A_171] : memref<26000xf32, #tpu.memory_space<vmem>>[vector<16xi32>], vector<16xf32>,
      %add3A_173 = arith.addf %add3A_166, %gather3A_172 : vector<16xf32>
      %get3A_174 = arith.constant 11 : i32
      %get3A_175 = arith.index_cast %get3A_174 : i32 to index
      %get3A_176 = arith.index_cast %mul3A_97 : i32 to index
      %get3A_177 = tpu.vector_load %arg7[%get3A_175, %get3A_176] {strides = array<i32>} : memref<26x512xi32, #tpu.memory_space<vmem>>, vector<16xi32>,
      %add3A_178 = arith.addi %get3A_177, %gather3A_42 : vector<16xi32>
      %gather3A_179 = tpu.vector_load_idx %arg6[%add3A_178] : memref<26000xf32, #tpu.memory_space<vmem>>[vector<16xi32>], vector<16xf32>,
      %add3A_180 = arith.addf %add3A_173, %gather3A_179 : vector<16xf32>
      %get3A_181 = arith.constant 12 : i32
      %get3A_182 = arith.index_cast %get3A_181 : i32 to index
      %get3A_183 = arith.index_cast %mul3A_97 : i32 to index
      %get3A_184 = tpu.vector_load %arg7[%get3A_182, %get3A_183] {strides = array<i32>} : memref<26x512xi32, #tpu.memory_space<vmem>>, vector<16xi32>,
      %add3A_185 = arith.addi %get3A_184, %gather3A_45 : vector<16xi32>
      %gather3A_186 = tpu.vector_load_idx %arg6[%add3A_185] : memref<26000xf32, #tpu.memory_space<vmem>>[vector<16xi32>], vector<16xf32>,
      %add3A_187 = arith.addf %add3A_180, %gather3A_186 : vector<16xf32>
      %get3A_188 = arith.constant 13 : i32
      %get3A_189 = arith.index_cast %get3A_188 : i32 to index
      %get3A_190 = arith.index_cast %mul3A_97 : i32 to index
      %get3A_191 = tpu.vector_load %arg7[%get3A_189, %get3A_190] {strides = array<i32>} : memref<26x512xi32, #tpu.memory_space<vmem>>, vector<16xi32>,
      %add3A_192 = arith.addi %get3A_191, %gather3A_48 : vector<16xi32>
      %gather3A_193 = tpu.vector_load_idx %arg6[%add3A_192] : memref<26000xf32, #tpu.memory_space<vmem>>[vector<16xi32>], vector<16xf32>,
      %add3A_194 = arith.addf %add3A_187, %gather3A_193 : vector<16xf32>
      %get3A_195 = arith.constant 14 : i32
      %get3A_196 = arith.index_cast %get3A_195 : i32 to index
      %get3A_197 = arith.index_cast %mul3A_97 : i32 to index
      %get3A_198 = tpu.vector_load %arg7[%get3A_196, %get3A_197] {strides = array<i32>} : memref<26x512xi32, #tpu.memory_space<vmem>>, vector<16xi32>,
      %add3A_199 = arith.addi %get3A_198, %gather3A_51 : vector<16xi32>
      %gather3A_200 = tpu.vector_load_idx %arg6[%add3A_199] : memref<26000xf32, #tpu.memory_space<vmem>>[vector<16xi32>], vector<16xf32>,
      %add3A_201 = arith.addf %add3A_194, %gather3A_200 : vector<16xf32>
      %get3A_202 = arith.constant 15 : i32
      %get3A_203 = arith.index_cast %get3A_202 : i32 to index
      %get3A_204 = arith.index_cast %mul3A_97 : i32 to index
      %get3A_205 = tpu.vector_load %arg7[%get3A_203, %get3A_204] {strides = array<i32>} : memref<26x512xi32, #tpu.memory_space<vmem>>, vector<16xi32>,
      %add3A_206 = arith.addi %get3A_205, %gather3A_54 : vector<16xi32>
      %gather3A_207 = tpu.vector_load_idx %arg6[%add3A_206] : memref<26000xf32, #tpu.memory_space<vmem>>[vector<16xi32>], vector<16xf32>,
      %add3A_208 = arith.addf %add3A_201, %gather3A_207 : vector<16xf32>
      %get3A_209 = arith.constant 16 : i32
      %get3A_210 = arith.index_cast %get3A_209 : i32 to index
      %get3A_211 = arith.index_cast %mul3A_97 : i32 to index
      %get3A_212 = tpu.vector_load %arg7[%get3A_210, %get3A_211] {strides = array<i32>} : memref<26x512xi32, #tpu.memory_space<vmem>>, vector<16xi32>,
      %add3A_213 = arith.addi %get3A_212, %gather3A_57 : vector<16xi32>
      %gather3A_214 = tpu.vector_load_idx %arg6[%add3A_213] : memref<26000xf32, #tpu.memory_space<vmem>>[vector<16xi32>], vector<16xf32>,
      %add3A_215 = arith.addf %add3A_208, %gather3A_214 : vector<16xf32>
      %get3A_216 = arith.constant 17 : i32
      %get3A_217 = arith.index_cast %get3A_216 : i32 to index
      %get3A_218 = arith.index_cast %mul3A_97 : i32 to index
      %get3A_219 = tpu.vector_load %arg7[%get3A_217, %get3A_218] {strides = array<i32>} : memref<26x512xi32, #tpu.memory_space<vmem>>, vector<16xi32>,
      %add3A_220 = arith.addi %get3A_219, %gather3A_60 : vector<16xi32>
      %gather3A_221 = tpu.vector_load_idx %arg6[%add3A_220] : memref<26000xf32, #tpu.memory_space<vmem>>[vector<16xi32>], vector<16xf32>,
      %add3A_222 = arith.addf %add3A_215, %gather3A_221 : vector<16xf32>
      %get3A_223 = arith.constant 18 : i32
      %get3A_224 = arith.index_cast %get3A_223 : i32 to index
      %get3A_225 = arith.index_cast %mul3A_97 : i32 to index
      %get3A_226 = tpu.vector_load %arg7[%get3A_224, %get3A_225] {strides = array<i32>} : memref<26x512xi32, #tpu.memory_space<vmem>>, vector<16xi32>,
      %add3A_227 = arith.addi %get3A_226, %gather3A_63 : vector<16xi32>
      %gather3A_228 = tpu.vector_load_idx %arg6[%add3A_227] : memref<26000xf32, #tpu.memory_space<vmem>>[vector<16xi32>], vector<16xf32>,
      %add3A_229 = arith.addf %add3A_222, %gather3A_228 : vector<16xf32>
      %get3A_230 = arith.constant 19 : i32
      %get3A_231 = arith.index_cast %get3A_230 : i32 to index
      %get3A_232 = arith.index_cast %mul3A_97 : i32 to index
      %get3A_233 = tpu.vector_load %arg7[%get3A_231, %get3A_232] {strides = array<i32>} : memref<26x512xi32, #tpu.memory_space<vmem>>, vector<16xi32>,
      %add3A_234 = arith.addi %get3A_233, %gather3A_66 : vector<16xi32>
      %gather3A_235 = tpu.vector_load_idx %arg6[%add3A_234] : memref<26000xf32, #tpu.memory_space<vmem>>[vector<16xi32>], vector<16xf32>,
      %add3A_236 = arith.addf %add3A_229, %gather3A_235 : vector<16xf32>
      %get3A_237 = arith.constant 20 : i32
      %get3A_238 = arith.index_cast %get3A_237 : i32 to index
      %get3A_239 = arith.index_cast %mul3A_97 : i32 to index
      %get3A_240 = tpu.vector_load %arg7[%get3A_238, %get3A_239] {strides = array<i32>} : memref<26x512xi32, #tpu.memory_space<vmem>>, vector<16xi32>,
      %add3A_241 = arith.addi %get3A_240, %gather3A_69 : vector<16xi32>
      %gather3A_242 = tpu.vector_load_idx %arg6[%add3A_241] : memref<26000xf32, #tpu.memory_space<vmem>>[vector<16xi32>], vector<16xf32>,
      %add3A_243 = arith.addf %add3A_236, %gather3A_242 : vector<16xf32>
      %get3A_244 = arith.constant 21 : i32
      %get3A_245 = arith.index_cast %get3A_244 : i32 to index
      %get3A_246 = arith.index_cast %mul3A_97 : i32 to index
      %get3A_247 = tpu.vector_load %arg7[%get3A_245, %get3A_246] {strides = array<i32>} : memref<26x512xi32, #tpu.memory_space<vmem>>, vector<16xi32>,
      %add3A_248 = arith.addi %get3A_247, %gather3A_72 : vector<16xi32>
      %gather3A_249 = tpu.vector_load_idx %arg6[%add3A_248] : memref<26000xf32, #tpu.memory_space<vmem>>[vector<16xi32>], vector<16xf32>,
      %add3A_250 = arith.addf %add3A_243, %gather3A_249 : vector<16xf32>
      %get3A_251 = arith.constant 22 : i32
      %get3A_252 = arith.index_cast %get3A_251 : i32 to index
      %get3A_253 = arith.index_cast %mul3A_97 : i32 to index
      %get3A_254 = tpu.vector_load %arg7[%get3A_252, %get3A_253] {strides = array<i32>} : memref<26x512xi32, #tpu.memory_space<vmem>>, vector<16xi32>,
      %add3A_255 = arith.addi %get3A_254, %gather3A_75 : vector<16xi32>
      %gather3A_256 = tpu.vector_load_idx %arg6[%add3A_255] : memref<26000xf32, #tpu.memory_space<vmem>>[vector<16xi32>], vector<16xf32>,
      %add3A_257 = arith.addf %add3A_250, %gather3A_256 : vector<16xf32>
      %get3A_258 = arith.constant 23 : i32
      %get3A_259 = arith.index_cast %get3A_258 : i32 to index
      %get3A_260 = arith.index_cast %mul3A_97 : i32 to index
      %get3A_261 = tpu.vector_load %arg7[%get3A_259, %get3A_260] {strides = array<i32>} : memref<26x512xi32, #tpu.memory_space<vmem>>, vector<16xi32>,
      %add3A_262 = arith.addi %get3A_261, %gather3A_78 : vector<16xi32>
      %gather3A_263 = tpu.vector_load_idx %arg6[%add3A_262] : memref<26000xf32, #tpu.memory_space<vmem>>[vector<16xi32>], vector<16xf32>,
      %add3A_264 = arith.addf %add3A_257, %gather3A_263 : vector<16xf32>
      %get3A_265 = arith.constant 24 : i32
      %get3A_266 = arith.index_cast %get3A_265 : i32 to index
      %get3A_267 = arith.index_cast %mul3A_97 : i32 to index
      %get3A_268 = tpu.vector_load %arg7[%get3A_266, %get3A_267] {strides = array<i32>} : memref<26x512xi32, #tpu.memory_space<vmem>>, vector<16xi32>,
      %add3A_269 = arith.addi %get3A_268, %gather3A_81 : vector<16xi32>
      %gather3A_270 = tpu.vector_load_idx %arg6[%add3A_269] : memref<26000xf32, #tpu.memory_space<vmem>>[vector<16xi32>], vector<16xf32>,
      %add3A_271 = arith.addf %add3A_264, %gather3A_270 : vector<16xf32>
      %get3A_272 = arith.constant 25 : i32
      %get3A_273 = arith.index_cast %get3A_272 : i32 to index
      %get3A_274 = arith.index_cast %mul3A_97 : i32 to index
      %get3A_275 = tpu.vector_load %arg7[%get3A_273, %get3A_274] {strides = array<i32>} : memref<26x512xi32, #tpu.memory_space<vmem>>, vector<16xi32>,
      %add3A_276 = arith.addi %get3A_275, %gather3A_84 : vector<16xi32>
      %gather3A_277 = tpu.vector_load_idx %arg6[%add3A_276] : memref<26000xf32, #tpu.memory_space<vmem>>[vector<16xi32>], vector<16xf32>,
      %add3A_278 = arith.addf %add3A_271, %gather3A_277 : vector<16xf32>
      %swap3A = arith.index_cast %mul3A_97 : i32 to index
      %swap3A_279 = tpu.vector_load %arg8[%swap3A] {strides = array<i32>} : memref<512xf32, #tpu.memory_space<vmem>>, vector<16xf32>,
      tpu.vector_store %arg8[%swap3A], %add3A_278 {strides = array<i32>} : memref<512xf32, #tpu.memory_space<vmem>>, vector<16xf32>,
      %scan3A_280 = arith.constant 1 : i32
      %scan3A_281 = arith.addi %scan3A_95, %scan3A_280 : i32
      %mul3A_282 = arith.constant 16 : i32
      %mul3A_283 = arith.muli %scan3A_281, %mul3A_282 : i32
      %get3A_284 = arith.constant 0 : i32
      %get3A_285 = arith.index_cast %get3A_284 : i32 to index
      %get3A_286 = arith.index_cast %mul3A_283 : i32 to index
      %get3A_287 = tpu.vector_load %arg7[%get3A_285, %get3A_286] {strides = array<i32>} : memref<26x512xi32, #tpu.memory_space<vmem>>, vector<16xi32>,
      %add3A_288 = arith.addi %get3A_287, %gather3A_9 : vector<16xi32>
      %gather3A_289 = tpu.vector_load_idx %arg6[%add3A_288] : memref<26000xf32, #tpu.memory_space<vmem>>[vector<16xi32>], vector<16xf32>,
      %add3A_290 = arith.addf %bitcast3A, %gather3A_289 : vector<16xf32>
      %get3A_291 = arith.constant 1 : i32
      %get3A_292 = arith.index_cast %get3A_291 : i32 to index
      %get3A_293 = arith.index_cast %mul3A_283 : i32 to index
      %get3A_294 = tpu.vector_load %arg7[%get3A_292, %get3A_293] {strides = array<i32>} : memref<26x512xi32, #tpu.memory_space<vmem>>, vector<16xi32>,
      %add3A_295 = arith.addi %get3A_294, %gather3A_12 : vector<16xi32>
      %gather3A_296 = tpu.vector_load_idx %arg6[%add3A_295] : memref<26000xf32, #tpu.memory_space<vmem>>[vector<16xi32>], vector<16xf32>,
      %add3A_297 = arith.addf %add3A_290, %gather3A_296 : vector<16xf32>
      %get3A_298 = arith.constant 2 : i32
      %get3A_299 = arith.index_cast %get3A_298 : i32 to index
      %get3A_300 = arith.index_cast %mul3A_283 : i32 to index
      %get3A_301 = tpu.vector_load %arg7[%get3A_299, %get3A_300] {strides = array<i32>} : memref<26x512xi32, #tpu.memory_space<vmem>>, vector<16xi32>,
      %add3A_302 = arith.addi %get3A_301, %gather3A_15 : vector<16xi32>
      %gather3A_303 = tpu.vector_load_idx %arg6[%add3A_302] : memref<26000xf32, #tpu.memory_space<vmem>>[vector<16xi32>], vector<16xf32>,
      %add3A_304 = arith.addf %add3A_297, %gather3A_303 : vector<16xf32>
      %get3A_305 = arith.constant 3 : i32
      %get3A_306 = arith.index_cast %get3A_305 : i32 to index
      %get3A_307 = arith.index_cast %mul3A_283 : i32 to index
      %get3A_308 = tpu.vector_load %arg7[%get3A_306, %get3A_307] {strides = array<i32>} : memref<26x512xi32, #tpu.memory_space<vmem>>, vector<16xi32>,
      %add3A_309 = arith.addi %get3A_308, %gather3A_18 : vector<16xi32>
      %gather3A_310 = tpu.vector_load_idx %arg6[%add3A_309] : memref<26000xf32, #tpu.memory_space<vmem>>[vector<16xi32>], vector<16xf32>,
      %add3A_311 = arith.addf %add3A_304, %gather3A_310 : vector<16xf32>
      %get3A_312 = arith.constant 4 : i32
      %get3A_313 = arith.index_cast %get3A_312 : i32 to index
      %get3A_314 = arith.index_cast %mul3A_283 : i32 to index
      %get3A_315 = tpu.vector_load %arg7[%get3A_313, %get3A_314] {strides = array<i32>} : memref<26x512xi32, #tpu.memory_space<vmem>>, vector<16xi32>,
      %add3A_316 = arith.addi %get3A_315, %gather3A_21 : vector<16xi32>
      %gather3A_317 = tpu.vector_load_idx %arg6[%add3A_316] : memref<26000xf32, #tpu.memory_space<vmem>>[vector<16xi32>], vector<16xf32>,
      %add3A_318 = arith.addf %add3A_311, %gather3A_317 : vector<16xf32>
      %get3A_319 = arith.constant 5 : i32
      %get3A_320 = arith.index_cast %get3A_319 : i32 to index
      %get3A_321 = arith.index_cast %mul3A_283 : i32 to index
      %get3A_322 = tpu.vector_load %arg7[%get3A_320, %get3A_321] {strides = array<i32>} : memref<26x512xi32, #tpu.memory_space<vmem>>, vector<16xi32>,
      %add3A_323 = arith.addi %get3A_322, %gather3A_24 : vector<16xi32>
      %gather3A_324 = tpu.vector_load_idx %arg6[%add3A_323] : memref<26000xf32, #tpu.memory_space<vmem>>[vector<16xi32>], vector<16xf32>,
      %add3A_325 = arith.addf %add3A_318, %gather3A_324 : vector<16xf32>
      %get3A_326 = arith.constant 6 : i32
      %get3A_327 = arith.index_cast %get3A_326 : i32 to index
      %get3A_328 = arith.index_cast %mul3A_283 : i32 to index
      %get3A_329 = tpu.vector_load %arg7[%get3A_327, %get3A_328] {strides = array<i32>} : memref<26x512xi32, #tpu.memory_space<vmem>>, vector<16xi32>,
      %add3A_330 = arith.addi %get3A_329, %gather3A_27 : vector<16xi32>
      %gather3A_331 = tpu.vector_load_idx %arg6[%add3A_330] : memref<26000xf32, #tpu.memory_space<vmem>>[vector<16xi32>], vector<16xf32>,
      %add3A_332 = arith.addf %add3A_325, %gather3A_331 : vector<16xf32>
      %get3A_333 = arith.constant 7 : i32
      %get3A_334 = arith.index_cast %get3A_333 : i32 to index
      %get3A_335 = arith.index_cast %mul3A_283 : i32 to index
      %get3A_336 = tpu.vector_load %arg7[%get3A_334, %get3A_335] {strides = array<i32>} : memref<26x512xi32, #tpu.memory_space<vmem>>, vector<16xi32>,
      %add3A_337 = arith.addi %get3A_336, %gather3A_30 : vector<16xi32>
      %gather3A_338 = tpu.vector_load_idx %arg6[%add3A_337] : memref<26000xf32, #tpu.memory_space<vmem>>[vector<16xi32>], vector<16xf32>,
      %add3A_339 = arith.addf %add3A_332, %gather3A_338 : vector<16xf32>
      %get3A_340 = arith.constant 8 : i32
      %get3A_341 = arith.index_cast %get3A_340 : i32 to index
      %get3A_342 = arith.index_cast %mul3A_283 : i32 to index
      %get3A_343 = tpu.vector_load %arg7[%get3A_341, %get3A_342] {strides = array<i32>} : memref<26x512xi32, #tpu.memory_space<vmem>>, vector<16xi32>,
      %add3A_344 = arith.addi %get3A_343, %gather3A_33 : vector<16xi32>
      %gather3A_345 = tpu.vector_load_idx %arg6[%add3A_344] : memref<26000xf32, #tpu.memory_space<vmem>>[vector<16xi32>], vector<16xf32>,
      %add3A_346 = arith.addf %add3A_339, %gather3A_345 : vector<16xf32>
      %get3A_347 = arith.constant 9 : i32
      %get3A_348 = arith.index_cast %get3A_347 : i32 to index
      %get3A_349 = arith.index_cast %mul3A_283 : i32 to index
      %get3A_350 = tpu.vector_load %arg7[%get3A_348, %get3A_349] {strides = array<i32>} : memref<26x512xi32, #tpu.memory_space<vmem>>, vector<16xi32>,
      %add3A_351 = arith.addi %get3A_350, %gather3A_36 : vector<16xi32>
      %gather3A_352 = tpu.vector_load_idx %arg6[%add3A_351] : memref<26000xf32, #tpu.memory_space<vmem>>[vector<16xi32>], vector<16xf32>,
      %add3A_353 = arith.addf %add3A_346, %gather3A_352 : vector<16xf32>
      %get3A_354 = arith.constant 10 : i32
      %get3A_355 = arith.index_cast %get3A_354 : i32 to index
      %get3A_356 = arith.index_cast %mul3A_283 : i32 to index
      %get3A_357 = tpu.vector_load %arg7[%get3A_355, %get3A_356] {strides = array<i32>} : memref<26x512xi32, #tpu.memory_space<vmem>>, vector<16xi32>,
      %add3A_358 = arith.addi %get3A_357, %gather3A_39 : vector<16xi32>
      %gather3A_359 = tpu.vector_load_idx %arg6[%add3A_358] : memref<26000xf32, #tpu.memory_space<vmem>>[vector<16xi32>], vector<16xf32>,
      %add3A_360 = arith.addf %add3A_353, %gather3A_359 : vector<16xf32>
      %get3A_361 = arith.constant 11 : i32
      %get3A_362 = arith.index_cast %get3A_361 : i32 to index
      %get3A_363 = arith.index_cast %mul3A_283 : i32 to index
      %get3A_364 = tpu.vector_load %arg7[%get3A_362, %get3A_363] {strides = array<i32>} : memref<26x512xi32, #tpu.memory_space<vmem>>, vector<16xi32>,
      %add3A_365 = arith.addi %get3A_364, %gather3A_42 : vector<16xi32>
      %gather3A_366 = tpu.vector_load_idx %arg6[%add3A_365] : memref<26000xf32, #tpu.memory_space<vmem>>[vector<16xi32>], vector<16xf32>,
      %add3A_367 = arith.addf %add3A_360, %gather3A_366 : vector<16xf32>
      %get3A_368 = arith.constant 12 : i32
      %get3A_369 = arith.index_cast %get3A_368 : i32 to index
      %get3A_370 = arith.index_cast %mul3A_283 : i32 to index
      %get3A_371 = tpu.vector_load %arg7[%get3A_369, %get3A_370] {strides = array<i32>} : memref<26x512xi32, #tpu.memory_space<vmem>>, vector<16xi32>,
      %add3A_372 = arith.addi %get3A_371, %gather3A_45 : vector<16xi32>
      %gather3A_373 = tpu.vector_load_idx %arg6[%add3A_372] : memref<26000xf32, #tpu.memory_space<vmem>>[vector<16xi32>], vector<16xf32>,
      %add3A_374 = arith.addf %add3A_367, %gather3A_373 : vector<16xf32>
      %get3A_375 = arith.constant 13 : i32
      %get3A_376 = arith.index_cast %get3A_375 : i32 to index
      %get3A_377 = arith.index_cast %mul3A_283 : i32 to index
      %get3A_378 = tpu.vector_load %arg7[%get3A_376, %get3A_377] {strides = array<i32>} : memref<26x512xi32, #tpu.memory_space<vmem>>, vector<16xi32>,
      %add3A_379 = arith.addi %get3A_378, %gather3A_48 : vector<16xi32>
      %gather3A_380 = tpu.vector_load_idx %arg6[%add3A_379] : memref<26000xf32, #tpu.memory_space<vmem>>[vector<16xi32>], vector<16xf32>,
      %add3A_381 = arith.addf %add3A_374, %gather3A_380 : vector<16xf32>
      %get3A_382 = arith.constant 14 : i32
      %get3A_383 = arith.index_cast %get3A_382 : i32 to index
      %get3A_384 = arith.index_cast %mul3A_283 : i32 to index
      %get3A_385 = tpu.vector_load %arg7[%get3A_383, %get3A_384] {strides = array<i32>} : memref<26x512xi32, #tpu.memory_space<vmem>>, vector<16xi32>,
      %add3A_386 = arith.addi %get3A_385, %gather3A_51 : vector<16xi32>
      %gather3A_387 = tpu.vector_load_idx %arg6[%add3A_386] : memref<26000xf32, #tpu.memory_space<vmem>>[vector<16xi32>], vector<16xf32>,
      %add3A_388 = arith.addf %add3A_381, %gather3A_387 : vector<16xf32>
      %get3A_389 = arith.constant 15 : i32
      %get3A_390 = arith.index_cast %get3A_389 : i32 to index
      %get3A_391 = arith.index_cast %mul3A_283 : i32 to index
      %get3A_392 = tpu.vector_load %arg7[%get3A_390, %get3A_391] {strides = array<i32>} : memref<26x512xi32, #tpu.memory_space<vmem>>, vector<16xi32>,
      %add3A_393 = arith.addi %get3A_392, %gather3A_54 : vector<16xi32>
      %gather3A_394 = tpu.vector_load_idx %arg6[%add3A_393] : memref<26000xf32, #tpu.memory_space<vmem>>[vector<16xi32>], vector<16xf32>,
      %add3A_395 = arith.addf %add3A_388, %gather3A_394 : vector<16xf32>
      %get3A_396 = arith.constant 16 : i32
      %get3A_397 = arith.index_cast %get3A_396 : i32 to index
      %get3A_398 = arith.index_cast %mul3A_283 : i32 to index
      %get3A_399 = tpu.vector_load %arg7[%get3A_397, %get3A_398] {strides = array<i32>} : memref<26x512xi32, #tpu.memory_space<vmem>>, vector<16xi32>,
      %add3A_400 = arith.addi %get3A_399, %gather3A_57 : vector<16xi32>
      %gather3A_401 = tpu.vector_load_idx %arg6[%add3A_400] : memref<26000xf32, #tpu.memory_space<vmem>>[vector<16xi32>], vector<16xf32>,
      %add3A_402 = arith.addf %add3A_395, %gather3A_401 : vector<16xf32>
      %get3A_403 = arith.constant 17 : i32
      %get3A_404 = arith.index_cast %get3A_403 : i32 to index
      %get3A_405 = arith.index_cast %mul3A_283 : i32 to index
      %get3A_406 = tpu.vector_load %arg7[%get3A_404, %get3A_405] {strides = array<i32>} : memref<26x512xi32, #tpu.memory_space<vmem>>, vector<16xi32>,
      %add3A_407 = arith.addi %get3A_406, %gather3A_60 : vector<16xi32>
      %gather3A_408 = tpu.vector_load_idx %arg6[%add3A_407] : memref<26000xf32, #tpu.memory_space<vmem>>[vector<16xi32>], vector<16xf32>,
      %add3A_409 = arith.addf %add3A_402, %gather3A_408 : vector<16xf32>
      %get3A_410 = arith.constant 18 : i32
      %get3A_411 = arith.index_cast %get3A_410 : i32 to index
      %get3A_412 = arith.index_cast %mul3A_283 : i32 to index
      %get3A_413 = tpu.vector_load %arg7[%get3A_411, %get3A_412] {strides = array<i32>} : memref<26x512xi32, #tpu.memory_space<vmem>>, vector<16xi32>,
      %add3A_414 = arith.addi %get3A_413, %gather3A_63 : vector<16xi32>
      %gather3A_415 = tpu.vector_load_idx %arg6[%add3A_414] : memref<26000xf32, #tpu.memory_space<vmem>>[vector<16xi32>], vector<16xf32>,
      %add3A_416 = arith.addf %add3A_409, %gather3A_415 : vector<16xf32>
      %get3A_417 = arith.constant 19 : i32
      %get3A_418 = arith.index_cast %get3A_417 : i32 to index
      %get3A_419 = arith.index_cast %mul3A_283 : i32 to index
      %get3A_420 = tpu.vector_load %arg7[%get3A_418, %get3A_419] {strides = array<i32>} : memref<26x512xi32, #tpu.memory_space<vmem>>, vector<16xi32>,
      %add3A_421 = arith.addi %get3A_420, %gather3A_66 : vector<16xi32>
      %gather3A_422 = tpu.vector_load_idx %arg6[%add3A_421] : memref<26000xf32, #tpu.memory_space<vmem>>[vector<16xi32>], vector<16xf32>,
      %add3A_423 = arith.addf %add3A_416, %gather3A_422 : vector<16xf32>
      %get3A_424 = arith.constant 20 : i32
      %get3A_425 = arith.index_cast %get3A_424 : i32 to index
      %get3A_426 = arith.index_cast %mul3A_283 : i32 to index
      %get3A_427 = tpu.vector_load %arg7[%get3A_425, %get3A_426] {strides = array<i32>} : memref<26x512xi32, #tpu.memory_space<vmem>>, vector<16xi32>,
      %add3A_428 = arith.addi %get3A_427, %gather3A_69 : vector<16xi32>
      %gather3A_429 = tpu.vector_load_idx %arg6[%add3A_428] : memref<26000xf32, #tpu.memory_space<vmem>>[vector<16xi32>], vector<16xf32>,
      %add3A_430 = arith.addf %add3A_423, %gather3A_429 : vector<16xf32>
      %get3A_431 = arith.constant 21 : i32
      %get3A_432 = arith.index_cast %get3A_431 : i32 to index
      %get3A_433 = arith.index_cast %mul3A_283 : i32 to index
      %get3A_434 = tpu.vector_load %arg7[%get3A_432, %get3A_433] {strides = array<i32>} : memref<26x512xi32, #tpu.memory_space<vmem>>, vector<16xi32>,
      %add3A_435 = arith.addi %get3A_434, %gather3A_72 : vector<16xi32>
      %gather3A_436 = tpu.vector_load_idx %arg6[%add3A_435] : memref<26000xf32, #tpu.memory_space<vmem>>[vector<16xi32>], vector<16xf32>,
      %add3A_437 = arith.addf %add3A_430, %gather3A_436 : vector<16xf32>
      %get3A_438 = arith.constant 22 : i32
      %get3A_439 = arith.index_cast %get3A_438 : i32 to index
      %get3A_440 = arith.index_cast %mul3A_283 : i32 to index
      %get3A_441 = tpu.vector_load %arg7[%get3A_439, %get3A_440] {strides = array<i32>} : memref<26x512xi32, #tpu.memory_space<vmem>>, vector<16xi32>,
      %add3A_442 = arith.addi %get3A_441, %gather3A_75 : vector<16xi32>
      %gather3A_443 = tpu.vector_load_idx %arg6[%add3A_442] : memref<26000xf32, #tpu.memory_space<vmem>>[vector<16xi32>], vector<16xf32>,
      %add3A_444 = arith.addf %add3A_437, %gather3A_443 : vector<16xf32>
      %get3A_445 = arith.constant 23 : i32
      %get3A_446 = arith.index_cast %get3A_445 : i32 to index
      %get3A_447 = arith.index_cast %mul3A_283 : i32 to index
      %get3A_448 = tpu.vector_load %arg7[%get3A_446, %get3A_447] {strides = array<i32>} : memref<26x512xi32, #tpu.memory_space<vmem>>, vector<16xi32>,
      %add3A_449 = arith.addi %get3A_448, %gather3A_78 : vector<16xi32>
      %gather3A_450 = tpu.vector_load_idx %arg6[%add3A_449] : memref<26000xf32, #tpu.memory_space<vmem>>[vector<16xi32>], vector<16xf32>,
      %add3A_451 = arith.addf %add3A_444, %gather3A_450 : vector<16xf32>
      %get3A_452 = arith.constant 24 : i32
      %get3A_453 = arith.index_cast %get3A_452 : i32 to index
      %get3A_454 = arith.index_cast %mul3A_283 : i32 to index
      %get3A_455 = tpu.vector_load %arg7[%get3A_453, %get3A_454] {strides = array<i32>} : memref<26x512xi32, #tpu.memory_space<vmem>>, vector<16xi32>,
      %add3A_456 = arith.addi %get3A_455, %gather3A_81 : vector<16xi32>
      %gather3A_457 = tpu.vector_load_idx %arg6[%add3A_456] : memref<26000xf32, #tpu.memory_space<vmem>>[vector<16xi32>], vector<16xf32>,
      %add3A_458 = arith.addf %add3A_451, %gather3A_457 : vector<16xf32>
      %get3A_459 = arith.constant 25 : i32
      %get3A_460 = arith.index_cast %get3A_459 : i32 to index
      %get3A_461 = arith.index_cast %mul3A_283 : i32 to index
      %get3A_462 = tpu.vector_load %arg7[%get3A_460, %get3A_461] {strides = array<i32>} : memref<26x512xi32, #tpu.memory_space<vmem>>, vector<16xi32>,
      %add3A_463 = arith.addi %get3A_462, %gather3A_84 : vector<16xi32>
      %gather3A_464 = tpu.vector_load_idx %arg6[%add3A_463] : memref<26000xf32, #tpu.memory_space<vmem>>[vector<16xi32>], vector<16xf32>,
      %add3A_465 = arith.addf %add3A_458, %gather3A_464 : vector<16xf32>
      %swap3A_466 = arith.index_cast %mul3A_283 : i32 to index
      %swap3A_467 = tpu.vector_load %arg8[%swap3A_466] {strides = array<i32>} : memref<512xf32, #tpu.memory_space<vmem>>, vector<16xf32>,
      tpu.vector_store %arg8[%swap3A_466], %add3A_465 {strides = array<i32>} : memref<512xf32, #tpu.memory_space<vmem>>, vector<16xf32>,
      %scan3A_468 = arith.constant 2 : i32
      %scan3A_469 = arith.addi %scan3A_95, %scan3A_468 : i32
      %mul3A_470 = arith.constant 16 : i32
      %mul3A_471 = arith.muli %scan3A_469, %mul3A_470 : i32
      %get3A_472 = arith.constant 0 : i32
      %get3A_473 = arith.index_cast %get3A_472 : i32 to index
      %get3A_474 = arith.index_cast %mul3A_471 : i32 to index
      %get3A_475 = tpu.vector_load %arg7[%get3A_473, %get3A_474] {strides = array<i32>} : memref<26x512xi32, #tpu.memory_space<vmem>>, vector<16xi32>,
      %add3A_476 = arith.addi %get3A_475, %gather3A_9 : vector<16xi32>
      %gather3A_477 = tpu.vector_load_idx %arg6[%add3A_476] : memref<26000xf32, #tpu.memory_space<vmem>>[vector<16xi32>], vector<16xf32>,
      %add3A_478 = arith.addf %bitcast3A, %gather3A_477 : vector<16xf32>
      %get3A_479 = arith.constant 1 : i32
      %get3A_480 = arith.index_cast %get3A_479 : i32 to index
      %get3A_481 = arith.index_cast %mul3A_471 : i32 to index
      %get3A_482 = tpu.vector_load %arg7[%get3A_480, %get3A_481] {strides = array<i32>} : memref<26x512xi32, #tpu.memory_space<vmem>>, vector<16xi32>,
      %add3A_483 = arith.addi %get3A_482, %gather3A_12 : vector<16xi32>
      %gather3A_484 = tpu.vector_load_idx %arg6[%add3A_483] : memref<26000xf32, #tpu.memory_space<vmem>>[vector<16xi32>], vector<16xf32>,
      %add3A_485 = arith.addf %add3A_478, %gather3A_484 : vector<16xf32>
      %get3A_486 = arith.constant 2 : i32
      %get3A_487 = arith.index_cast %get3A_486 : i32 to index
      %get3A_488 = arith.index_cast %mul3A_471 : i32 to index
      %get3A_489 = tpu.vector_load %arg7[%get3A_487, %get3A_488] {strides = array<i32>} : memref<26x512xi32, #tpu.memory_space<vmem>>, vector<16xi32>,
      %add3A_490 = arith.addi %get3A_489, %gather3A_15 : vector<16xi32>
      %gather3A_491 = tpu.vector_load_idx %arg6[%add3A_490] : memref<26000xf32, #tpu.memory_space<vmem>>[vector<16xi32>], vector<16xf32>,
      %add3A_492 = arith.addf %add3A_485, %gather3A_491 : vector<16xf32>
      %get3A_493 = arith.constant 3 : i32
      %get3A_494 = arith.index_cast %get3A_493 : i32 to index
      %get3A_495 = arith.index_cast %mul3A_471 : i32 to index
      %get3A_496 = tpu.vector_load %arg7[%get3A_494, %get3A_495] {strides = array<i32>} : memref<26x512xi32, #tpu.memory_space<vmem>>, vector<16xi32>,
      %add3A_497 = arith.addi %get3A_496, %gather3A_18 : vector<16xi32>
      %gather3A_498 = tpu.vector_load_idx %arg6[%add3A_497] : memref<26000xf32, #tpu.memory_space<vmem>>[vector<16xi32>], vector<16xf32>,
      %add3A_499 = arith.addf %add3A_492, %gather3A_498 : vector<16xf32>
      %get3A_500 = arith.constant 4 : i32
      %get3A_501 = arith.index_cast %get3A_500 : i32 to index
      %get3A_502 = arith.index_cast %mul3A_471 : i32 to index
      %get3A_503 = tpu.vector_load %arg7[%get3A_501, %get3A_502] {strides = array<i32>} : memref<26x512xi32, #tpu.memory_space<vmem>>, vector<16xi32>,
      %add3A_504 = arith.addi %get3A_503, %gather3A_21 : vector<16xi32>
      %gather3A_505 = tpu.vector_load_idx %arg6[%add3A_504] : memref<26000xf32, #tpu.memory_space<vmem>>[vector<16xi32>], vector<16xf32>,
      %add3A_506 = arith.addf %add3A_499, %gather3A_505 : vector<16xf32>
      %get3A_507 = arith.constant 5 : i32
      %get3A_508 = arith.index_cast %get3A_507 : i32 to index
      %get3A_509 = arith.index_cast %mul3A_471 : i32 to index
      %get3A_510 = tpu.vector_load %arg7[%get3A_508, %get3A_509] {strides = array<i32>} : memref<26x512xi32, #tpu.memory_space<vmem>>, vector<16xi32>,
      %add3A_511 = arith.addi %get3A_510, %gather3A_24 : vector<16xi32>
      %gather3A_512 = tpu.vector_load_idx %arg6[%add3A_511] : memref<26000xf32, #tpu.memory_space<vmem>>[vector<16xi32>], vector<16xf32>,
      %add3A_513 = arith.addf %add3A_506, %gather3A_512 : vector<16xf32>
      %get3A_514 = arith.constant 6 : i32
      %get3A_515 = arith.index_cast %get3A_514 : i32 to index
      %get3A_516 = arith.index_cast %mul3A_471 : i32 to index
      %get3A_517 = tpu.vector_load %arg7[%get3A_515, %get3A_516] {strides = array<i32>} : memref<26x512xi32, #tpu.memory_space<vmem>>, vector<16xi32>,
      %add3A_518 = arith.addi %get3A_517, %gather3A_27 : vector<16xi32>
      %gather3A_519 = tpu.vector_load_idx %arg6[%add3A_518] : memref<26000xf32, #tpu.memory_space<vmem>>[vector<16xi32>], vector<16xf32>,
      %add3A_520 = arith.addf %add3A_513, %gather3A_519 : vector<16xf32>
      %get3A_521 = arith.constant 7 : i32
      %get3A_522 = arith.index_cast %get3A_521 : i32 to index
      %get3A_523 = arith.index_cast %mul3A_471 : i32 to index
      %get3A_524 = tpu.vector_load %arg7[%get3A_522, %get3A_523] {strides = array<i32>} : memref<26x512xi32, #tpu.memory_space<vmem>>, vector<16xi32>,
      %add3A_525 = arith.addi %get3A_524, %gather3A_30 : vector<16xi32>
      %gather3A_526 = tpu.vector_load_idx %arg6[%add3A_525] : memref<26000xf32, #tpu.memory_space<vmem>>[vector<16xi32>], vector<16xf32>,
      %add3A_527 = arith.addf %add3A_520, %gather3A_526 : vector<16xf32>
      %get3A_528 = arith.constant 8 : i32
      %get3A_529 = arith.index_cast %get3A_528 : i32 to index
      %get3A_530 = arith.index_cast %mul3A_471 : i32 to index
      %get3A_531 = tpu.vector_load %arg7[%get3A_529, %get3A_530] {strides = array<i32>} : memref<26x512xi32, #tpu.memory_space<vmem>>, vector<16xi32>,
      %add3A_532 = arith.addi %get3A_531, %gather3A_33 : vector<16xi32>
      %gather3A_533 = tpu.vector_load_idx %arg6[%add3A_532] : memref<26000xf32, #tpu.memory_space<vmem>>[vector<16xi32>], vector<16xf32>,
      %add3A_534 = arith.addf %add3A_527, %gather3A_533 : vector<16xf32>
      %get3A_535 = arith.constant 9 : i32
      %get3A_536 = arith.index_cast %get3A_535 : i32 to index
      %get3A_537 = arith.index_cast %mul3A_471 : i32 to index
      %get3A_538 = tpu.vector_load %arg7[%get3A_536, %get3A_537] {strides = array<i32>} : memref<26x512xi32, #tpu.memory_space<vmem>>, vector<16xi32>,
      %add3A_539 = arith.addi %get3A_538, %gather3A_36 : vector<16xi32>
      %gather3A_540 = tpu.vector_load_idx %arg6[%add3A_539] : memref<26000xf32, #tpu.memory_space<vmem>>[vector<16xi32>], vector<16xf32>,
      %add3A_541 = arith.addf %add3A_534, %gather3A_540 : vector<16xf32>
      %get3A_542 = arith.constant 10 : i32
      %get3A_543 = arith.index_cast %get3A_542 : i32 to index
      %get3A_544 = arith.index_cast %mul3A_471 : i32 to index
      %get3A_545 = tpu.vector_load %arg7[%get3A_543, %get3A_544] {strides = array<i32>} : memref<26x512xi32, #tpu.memory_space<vmem>>, vector<16xi32>,
      %add3A_546 = arith.addi %get3A_545, %gather3A_39 : vector<16xi32>
      %gather3A_547 = tpu.vector_load_idx %arg6[%add3A_546] : memref<26000xf32, #tpu.memory_space<vmem>>[vector<16xi32>], vector<16xf32>,
      %add3A_548 = arith.addf %add3A_541, %gather3A_547 : vector<16xf32>
      %get3A_549 = arith.constant 11 : i32
      %get3A_550 = arith.index_cast %get3A_549 : i32 to index
      %get3A_551 = arith.index_cast %mul3A_471 : i32 to index
      %get3A_552 = tpu.vector_load %arg7[%get3A_550, %get3A_551] {strides = array<i32>} : memref<26x512xi32, #tpu.memory_space<vmem>>, vector<16xi32>,
      %add3A_553 = arith.addi %get3A_552, %gather3A_42 : vector<16xi32>
      %gather3A_554 = tpu.vector_load_idx %arg6[%add3A_553] : memref<26000xf32, #tpu.memory_space<vmem>>[vector<16xi32>], vector<16xf32>,
      %add3A_555 = arith.addf %add3A_548, %gather3A_554 : vector<16xf32>
      %get3A_556 = arith.constant 12 : i32
      %get3A_557 = arith.index_cast %get3A_556 : i32 to index
      %get3A_558 = arith.index_cast %mul3A_471 : i32 to index
      %get3A_559 = tpu.vector_load %arg7[%get3A_557, %get3A_558] {strides = array<i32>} : memref<26x512xi32, #tpu.memory_space<vmem>>, vector<16xi32>,
      %add3A_560 = arith.addi %get3A_559, %gather3A_45 : vector<16xi32>
      %gather3A_561 = tpu.vector_load_idx %arg6[%add3A_560] : memref<26000xf32, #tpu.memory_space<vmem>>[vector<16xi32>], vector<16xf32>,
      %add3A_562 = arith.addf %add3A_555, %gather3A_561 : vector<16xf32>
      %get3A_563 = arith.constant 13 : i32
      %get3A_564 = arith.index_cast %get3A_563 : i32 to index
      %get3A_565 = arith.index_cast %mul3A_471 : i32 to index
      %get3A_566 = tpu.vector_load %arg7[%get3A_564, %get3A_565] {strides = array<i32>} : memref<26x512xi32, #tpu.memory_space<vmem>>, vector<16xi32>,
      %add3A_567 = arith.addi %get3A_566, %gather3A_48 : vector<16xi32>
      %gather3A_568 = tpu.vector_load_idx %arg6[%add3A_567] : memref<26000xf32, #tpu.memory_space<vmem>>[vector<16xi32>], vector<16xf32>,
      %add3A_569 = arith.addf %add3A_562, %gather3A_568 : vector<16xf32>
      %get3A_570 = arith.constant 14 : i32
      %get3A_571 = arith.index_cast %get3A_570 : i32 to index
      %get3A_572 = arith.index_cast %mul3A_471 : i32 to index
      %get3A_573 = tpu.vector_load %arg7[%get3A_571, %get3A_572] {strides = array<i32>} : memref<26x512xi32, #tpu.memory_space<vmem>>, vector<16xi32>,
      %add3A_574 = arith.addi %get3A_573, %gather3A_51 : vector<16xi32>
      %gather3A_575 = tpu.vector_load_idx %arg6[%add3A_574] : memref<26000xf32, #tpu.memory_space<vmem>>[vector<16xi32>], vector<16xf32>,
      %add3A_576 = arith.addf %add3A_569, %gather3A_575 : vector<16xf32>
      %get3A_577 = arith.constant 15 : i32
      %get3A_578 = arith.index_cast %get3A_577 : i32 to index
      %get3A_579 = arith.index_cast %mul3A_471 : i32 to index
      %get3A_580 = tpu.vector_load %arg7[%get3A_578, %get3A_579] {strides = array<i32>} : memref<26x512xi32, #tpu.memory_space<vmem>>, vector<16xi32>,
      %add3A_581 = arith.addi %get3A_580, %gather3A_54 : vector<16xi32>
      %gather3A_582 = tpu.vector_load_idx %arg6[%add3A_581] : memref<26000xf32, #tpu.memory_space<vmem>>[vector<16xi32>], vector<16xf32>,
      %add3A_583 = arith.addf %add3A_576, %gather3A_582 : vector<16xf32>
      %get3A_584 = arith.constant 16 : i32
      %get3A_585 = arith.index_cast %get3A_584 : i32 to index
      %get3A_586 = arith.index_cast %mul3A_471 : i32 to index
      %get3A_587 = tpu.vector_load %arg7[%get3A_585, %get3A_586] {strides = array<i32>} : memref<26x512xi32, #tpu.memory_space<vmem>>, vector<16xi32>,
      %add3A_588 = arith.addi %get3A_587, %gather3A_57 : vector<16xi32>
      %gather3A_589 = tpu.vector_load_idx %arg6[%add3A_588] : memref<26000xf32, #tpu.memory_space<vmem>>[vector<16xi32>], vector<16xf32>,
      %add3A_590 = arith.addf %add3A_583, %gather3A_589 : vector<16xf32>
      %get3A_591 = arith.constant 17 : i32
      %get3A_592 = arith.index_cast %get3A_591 : i32 to index
      %get3A_593 = arith.index_cast %mul3A_471 : i32 to index
      %get3A_594 = tpu.vector_load %arg7[%get3A_592, %get3A_593] {strides = array<i32>} : memref<26x512xi32, #tpu.memory_space<vmem>>, vector<16xi32>,
      %add3A_595 = arith.addi %get3A_594, %gather3A_60 : vector<16xi32>
      %gather3A_596 = tpu.vector_load_idx %arg6[%add3A_595] : memref<26000xf32, #tpu.memory_space<vmem>>[vector<16xi32>], vector<16xf32>,
      %add3A_597 = arith.addf %add3A_590, %gather3A_596 : vector<16xf32>
      %get3A_598 = arith.constant 18 : i32
      %get3A_599 = arith.index_cast %get3A_598 : i32 to index
      %get3A_600 = arith.index_cast %mul3A_471 : i32 to index
      %get3A_601 = tpu.vector_load %arg7[%get3A_599, %get3A_600] {strides = array<i32>} : memref<26x512xi32, #tpu.memory_space<vmem>>, vector<16xi32>,
      %add3A_602 = arith.addi %get3A_601, %gather3A_63 : vector<16xi32>
      %gather3A_603 = tpu.vector_load_idx %arg6[%add3A_602] : memref<26000xf32, #tpu.memory_space<vmem>>[vector<16xi32>], vector<16xf32>,
      %add3A_604 = arith.addf %add3A_597, %gather3A_603 : vector<16xf32>
      %get3A_605 = arith.constant 19 : i32
      %get3A_606 = arith.index_cast %get3A_605 : i32 to index
      %get3A_607 = arith.index_cast %mul3A_471 : i32 to index
      %get3A_608 = tpu.vector_load %arg7[%get3A_606, %get3A_607] {strides = array<i32>} : memref<26x512xi32, #tpu.memory_space<vmem>>, vector<16xi32>,
      %add3A_609 = arith.addi %get3A_608, %gather3A_66 : vector<16xi32>
      %gather3A_610 = tpu.vector_load_idx %arg6[%add3A_609] : memref<26000xf32, #tpu.memory_space<vmem>>[vector<16xi32>], vector<16xf32>,
      %add3A_611 = arith.addf %add3A_604, %gather3A_610 : vector<16xf32>
      %get3A_612 = arith.constant 20 : i32
      %get3A_613 = arith.index_cast %get3A_612 : i32 to index
      %get3A_614 = arith.index_cast %mul3A_471 : i32 to index
      %get3A_615 = tpu.vector_load %arg7[%get3A_613, %get3A_614] {strides = array<i32>} : memref<26x512xi32, #tpu.memory_space<vmem>>, vector<16xi32>,
      %add3A_616 = arith.addi %get3A_615, %gather3A_69 : vector<16xi32>
      %gather3A_617 = tpu.vector_load_idx %arg6[%add3A_616] : memref<26000xf32, #tpu.memory_space<vmem>>[vector<16xi32>], vector<16xf32>,
      %add3A_618 = arith.addf %add3A_611, %gather3A_617 : vector<16xf32>
      %get3A_619 = arith.constant 21 : i32
      %get3A_620 = arith.index_cast %get3A_619 : i32 to index
      %get3A_621 = arith.index_cast %mul3A_471 : i32 to index
      %get3A_622 = tpu.vector_load %arg7[%get3A_620, %get3A_621] {strides = array<i32>} : memref<26x512xi32, #tpu.memory_space<vmem>>, vector<16xi32>,
      %add3A_623 = arith.addi %get3A_622, %gather3A_72 : vector<16xi32>
      %gather3A_624 = tpu.vector_load_idx %arg6[%add3A_623] : memref<26000xf32, #tpu.memory_space<vmem>>[vector<16xi32>], vector<16xf32>,
      %add3A_625 = arith.addf %add3A_618, %gather3A_624 : vector<16xf32>
      %get3A_626 = arith.constant 22 : i32
      %get3A_627 = arith.index_cast %get3A_626 : i32 to index
      %get3A_628 = arith.index_cast %mul3A_471 : i32 to index
      %get3A_629 = tpu.vector_load %arg7[%get3A_627, %get3A_628] {strides = array<i32>} : memref<26x512xi32, #tpu.memory_space<vmem>>, vector<16xi32>,
      %add3A_630 = arith.addi %get3A_629, %gather3A_75 : vector<16xi32>
      %gather3A_631 = tpu.vector_load_idx %arg6[%add3A_630] : memref<26000xf32, #tpu.memory_space<vmem>>[vector<16xi32>], vector<16xf32>,
      %add3A_632 = arith.addf %add3A_625, %gather3A_631 : vector<16xf32>
      %get3A_633 = arith.constant 23 : i32
      %get3A_634 = arith.index_cast %get3A_633 : i32 to index
      %get3A_635 = arith.index_cast %mul3A_471 : i32 to index
      %get3A_636 = tpu.vector_load %arg7[%get3A_634, %get3A_635] {strides = array<i32>} : memref<26x512xi32, #tpu.memory_space<vmem>>, vector<16xi32>,
      %add3A_637 = arith.addi %get3A_636, %gather3A_78 : vector<16xi32>
      %gather3A_638 = tpu.vector_load_idx %arg6[%add3A_637] : memref<26000xf32, #tpu.memory_space<vmem>>[vector<16xi32>], vector<16xf32>,
      %add3A_639 = arith.addf %add3A_632, %gather3A_638 : vector<16xf32>
      %get3A_640 = arith.constant 24 : i32
      %get3A_641 = arith.index_cast %get3A_640 : i32 to index
      %get3A_642 = arith.index_cast %mul3A_471 : i32 to index
      %get3A_643 = tpu.vector_load %arg7[%get3A_641, %get3A_642] {strides = array<i32>} : memref<26x512xi32, #tpu.memory_space<vmem>>, vector<16xi32>,
      %add3A_644 = arith.addi %get3A_643, %gather3A_81 : vector<16xi32>
      %gather3A_645 = tpu.vector_load_idx %arg6[%add3A_644] : memref<26000xf32, #tpu.memory_space<vmem>>[vector<16xi32>], vector<16xf32>,
      %add3A_646 = arith.addf %add3A_639, %gather3A_645 : vector<16xf32>
      %get3A_647 = arith.constant 25 : i32
      %get3A_648 = arith.index_cast %get3A_647 : i32 to index
      %get3A_649 = arith.index_cast %mul3A_471 : i32 to index
      %get3A_650 = tpu.vector_load %arg7[%get3A_648, %get3A_649] {strides = array<i32>} : memref<26x512xi32, #tpu.memory_space<vmem>>, vector<16xi32>,
      %add3A_651 = arith.addi %get3A_650, %gather3A_84 : vector<16xi32>
      %gather3A_652 = tpu.vector_load_idx %arg6[%add3A_651] : memref<26000xf32, #tpu.memory_space<vmem>>[vector<16xi32>], vector<16xf32>,
      %add3A_653 = arith.addf %add3A_646, %gather3A_652 : vector<16xf32>
      %swap3A_654 = arith.index_cast %mul3A_471 : i32 to index
      %swap3A_655 = tpu.vector_load %arg8[%swap3A_654] {strides = array<i32>} : memref<512xf32, #tpu.memory_space<vmem>>, vector<16xf32>,
      tpu.vector_store %arg8[%swap3A_654], %add3A_653 {strides = array<i32>} : memref<512xf32, #tpu.memory_space<vmem>>, vector<16xf32>,
      %scan3A_656 = arith.constant 3 : i32
      %scan3A_657 = arith.addi %scan3A_95, %scan3A_656 : i32
      %mul3A_658 = arith.constant 16 : i32
      %mul3A_659 = arith.muli %scan3A_657, %mul3A_658 : i32
      %get3A_660 = arith.constant 0 : i32
      %get3A_661 = arith.index_cast %get3A_660 : i32 to index
      %get3A_662 = arith.index_cast %mul3A_659 : i32 to index
      %get3A_663 = tpu.vector_load %arg7[%get3A_661, %get3A_662] {strides = array<i32>} : memref<26x512xi32, #tpu.memory_space<vmem>>, vector<16xi32>,
      %add3A_664 = arith.addi %get3A_663, %gather3A_9 : vector<16xi32>
      %gather3A_665 = tpu.vector_load_idx %arg6[%add3A_664] : memref<26000xf32, #tpu.memory_space<vmem>>[vector<16xi32>], vector<16xf32>,
      %add3A_666 = arith.addf %bitcast3A, %gather3A_665 : vector<16xf32>
      %get3A_667 = arith.constant 1 : i32
      %get3A_668 = arith.index_cast %get3A_667 : i32 to index
      %get3A_669 = arith.index_cast %mul3A_659 : i32 to index
      %get3A_670 = tpu.vector_load %arg7[%get3A_668, %get3A_669] {strides = array<i32>} : memref<26x512xi32, #tpu.memory_space<vmem>>, vector<16xi32>,
      %add3A_671 = arith.addi %get3A_670, %gather3A_12 : vector<16xi32>
      %gather3A_672 = tpu.vector_load_idx %arg6[%add3A_671] : memref<26000xf32, #tpu.memory_space<vmem>>[vector<16xi32>], vector<16xf32>,
      %add3A_673 = arith.addf %add3A_666, %gather3A_672 : vector<16xf32>
      %get3A_674 = arith.constant 2 : i32
      %get3A_675 = arith.index_cast %get3A_674 : i32 to index
      %get3A_676 = arith.index_cast %mul3A_659 : i32 to index
      %get3A_677 = tpu.vector_load %arg7[%get3A_675, %get3A_676] {strides = array<i32>} : memref<26x512xi32, #tpu.memory_space<vmem>>, vector<16xi32>,
      %add3A_678 = arith.addi %get3A_677, %gather3A_15 : vector<16xi32>
      %gather3A_679 = tpu.vector_load_idx %arg6[%add3A_678] : memref<26000xf32, #tpu.memory_space<vmem>>[vector<16xi32>], vector<16xf32>,
      %add3A_680 = arith.addf %add3A_673, %gather3A_679 : vector<16xf32>
      %get3A_681 = arith.constant 3 : i32
      %get3A_682 = arith.index_cast %get3A_681 : i32 to index
      %get3A_683 = arith.index_cast %mul3A_659 : i32 to index
      %get3A_684 = tpu.vector_load %arg7[%get3A_682, %get3A_683] {strides = array<i32>} : memref<26x512xi32, #tpu.memory_space<vmem>>, vector<16xi32>,
      %add3A_685 = arith.addi %get3A_684, %gather3A_18 : vector<16xi32>
      %gather3A_686 = tpu.vector_load_idx %arg6[%add3A_685] : memref<26000xf32, #tpu.memory_space<vmem>>[vector<16xi32>], vector<16xf32>,
      %add3A_687 = arith.addf %add3A_680, %gather3A_686 : vector<16xf32>
      %get3A_688 = arith.constant 4 : i32
      %get3A_689 = arith.index_cast %get3A_688 : i32 to index
      %get3A_690 = arith.index_cast %mul3A_659 : i32 to index
      %get3A_691 = tpu.vector_load %arg7[%get3A_689, %get3A_690] {strides = array<i32>} : memref<26x512xi32, #tpu.memory_space<vmem>>, vector<16xi32>,
      %add3A_692 = arith.addi %get3A_691, %gather3A_21 : vector<16xi32>
      %gather3A_693 = tpu.vector_load_idx %arg6[%add3A_692] : memref<26000xf32, #tpu.memory_space<vmem>>[vector<16xi32>], vector<16xf32>,
      %add3A_694 = arith.addf %add3A_687, %gather3A_693 : vector<16xf32>
      %get3A_695 = arith.constant 5 : i32
      %get3A_696 = arith.index_cast %get3A_695 : i32 to index
      %get3A_697 = arith.index_cast %mul3A_659 : i32 to index
      %get3A_698 = tpu.vector_load %arg7[%get3A_696, %get3A_697] {strides = array<i32>} : memref<26x512xi32, #tpu.memory_space<vmem>>, vector<16xi32>,
      %add3A_699 = arith.addi %get3A_698, %gather3A_24 : vector<16xi32>
      %gather3A_700 = tpu.vector_load_idx %arg6[%add3A_699] : memref<26000xf32, #tpu.memory_space<vmem>>[vector<16xi32>], vector<16xf32>,
      %add3A_701 = arith.addf %add3A_694, %gather3A_700 : vector<16xf32>
      %get3A_702 = arith.constant 6 : i32
      %get3A_703 = arith.index_cast %get3A_702 : i32 to index
      %get3A_704 = arith.index_cast %mul3A_659 : i32 to index
      %get3A_705 = tpu.vector_load %arg7[%get3A_703, %get3A_704] {strides = array<i32>} : memref<26x512xi32, #tpu.memory_space<vmem>>, vector<16xi32>,
      %add3A_706 = arith.addi %get3A_705, %gather3A_27 : vector<16xi32>
      %gather3A_707 = tpu.vector_load_idx %arg6[%add3A_706] : memref<26000xf32, #tpu.memory_space<vmem>>[vector<16xi32>], vector<16xf32>,
      %add3A_708 = arith.addf %add3A_701, %gather3A_707 : vector<16xf32>
      %get3A_709 = arith.constant 7 : i32
      %get3A_710 = arith.index_cast %get3A_709 : i32 to index
      %get3A_711 = arith.index_cast %mul3A_659 : i32 to index
      %get3A_712 = tpu.vector_load %arg7[%get3A_710, %get3A_711] {strides = array<i32>} : memref<26x512xi32, #tpu.memory_space<vmem>>, vector<16xi32>,
      %add3A_713 = arith.addi %get3A_712, %gather3A_30 : vector<16xi32>
      %gather3A_714 = tpu.vector_load_idx %arg6[%add3A_713] : memref<26000xf32, #tpu.memory_space<vmem>>[vector<16xi32>], vector<16xf32>,
      %add3A_715 = arith.addf %add3A_708, %gather3A_714 : vector<16xf32>
      %get3A_716 = arith.constant 8 : i32
      %get3A_717 = arith.index_cast %get3A_716 : i32 to index
      %get3A_718 = arith.index_cast %mul3A_659 : i32 to index
      %get3A_719 = tpu.vector_load %arg7[%get3A_717, %get3A_718] {strides = array<i32>} : memref<26x512xi32, #tpu.memory_space<vmem>>, vector<16xi32>,
      %add3A_720 = arith.addi %get3A_719, %gather3A_33 : vector<16xi32>
      %gather3A_721 = tpu.vector_load_idx %arg6[%add3A_720] : memref<26000xf32, #tpu.memory_space<vmem>>[vector<16xi32>], vector<16xf32>,
      %add3A_722 = arith.addf %add3A_715, %gather3A_721 : vector<16xf32>
      %get3A_723 = arith.constant 9 : i32
      %get3A_724 = arith.index_cast %get3A_723 : i32 to index
      %get3A_725 = arith.index_cast %mul3A_659 : i32 to index
      %get3A_726 = tpu.vector_load %arg7[%get3A_724, %get3A_725] {strides = array<i32>} : memref<26x512xi32, #tpu.memory_space<vmem>>, vector<16xi32>,
      %add3A_727 = arith.addi %get3A_726, %gather3A_36 : vector<16xi32>
      %gather3A_728 = tpu.vector_load_idx %arg6[%add3A_727] : memref<26000xf32, #tpu.memory_space<vmem>>[vector<16xi32>], vector<16xf32>,
      %add3A_729 = arith.addf %add3A_722, %gather3A_728 : vector<16xf32>
      %get3A_730 = arith.constant 10 : i32
      %get3A_731 = arith.index_cast %get3A_730 : i32 to index
      %get3A_732 = arith.index_cast %mul3A_659 : i32 to index
      %get3A_733 = tpu.vector_load %arg7[%get3A_731, %get3A_732] {strides = array<i32>} : memref<26x512xi32, #tpu.memory_space<vmem>>, vector<16xi32>,
      %add3A_734 = arith.addi %get3A_733, %gather3A_39 : vector<16xi32>
      %gather3A_735 = tpu.vector_load_idx %arg6[%add3A_734] : memref<26000xf32, #tpu.memory_space<vmem>>[vector<16xi32>], vector<16xf32>,
      %add3A_736 = arith.addf %add3A_729, %gather3A_735 : vector<16xf32>
      %get3A_737 = arith.constant 11 : i32
      %get3A_738 = arith.index_cast %get3A_737 : i32 to index
      %get3A_739 = arith.index_cast %mul3A_659 : i32 to index
      %get3A_740 = tpu.vector_load %arg7[%get3A_738, %get3A_739] {strides = array<i32>} : memref<26x512xi32, #tpu.memory_space<vmem>>, vector<16xi32>,
      %add3A_741 = arith.addi %get3A_740, %gather3A_42 : vector<16xi32>
      %gather3A_742 = tpu.vector_load_idx %arg6[%add3A_741] : memref<26000xf32, #tpu.memory_space<vmem>>[vector<16xi32>], vector<16xf32>,
      %add3A_743 = arith.addf %add3A_736, %gather3A_742 : vector<16xf32>
      %get3A_744 = arith.constant 12 : i32
      %get3A_745 = arith.index_cast %get3A_744 : i32 to index
      %get3A_746 = arith.index_cast %mul3A_659 : i32 to index
      %get3A_747 = tpu.vector_load %arg7[%get3A_745, %get3A_746] {strides = array<i32>} : memref<26x512xi32, #tpu.memory_space<vmem>>, vector<16xi32>,
      %add3A_748 = arith.addi %get3A_747, %gather3A_45 : vector<16xi32>
      %gather3A_749 = tpu.vector_load_idx %arg6[%add3A_748] : memref<26000xf32, #tpu.memory_space<vmem>>[vector<16xi32>], vector<16xf32>,
      %add3A_750 = arith.addf %add3A_743, %gather3A_749 : vector<16xf32>
      %get3A_751 = arith.constant 13 : i32
      %get3A_752 = arith.index_cast %get3A_751 : i32 to index
      %get3A_753 = arith.index_cast %mul3A_659 : i32 to index
      %get3A_754 = tpu.vector_load %arg7[%get3A_752, %get3A_753] {strides = array<i32>} : memref<26x512xi32, #tpu.memory_space<vmem>>, vector<16xi32>,
      %add3A_755 = arith.addi %get3A_754, %gather3A_48 : vector<16xi32>
      %gather3A_756 = tpu.vector_load_idx %arg6[%add3A_755] : memref<26000xf32, #tpu.memory_space<vmem>>[vector<16xi32>], vector<16xf32>,
      %add3A_757 = arith.addf %add3A_750, %gather3A_756 : vector<16xf32>
      %get3A_758 = arith.constant 14 : i32
      %get3A_759 = arith.index_cast %get3A_758 : i32 to index
      %get3A_760 = arith.index_cast %mul3A_659 : i32 to index
      %get3A_761 = tpu.vector_load %arg7[%get3A_759, %get3A_760] {strides = array<i32>} : memref<26x512xi32, #tpu.memory_space<vmem>>, vector<16xi32>,
      %add3A_762 = arith.addi %get3A_761, %gather3A_51 : vector<16xi32>
      %gather3A_763 = tpu.vector_load_idx %arg6[%add3A_762] : memref<26000xf32, #tpu.memory_space<vmem>>[vector<16xi32>], vector<16xf32>,
      %add3A_764 = arith.addf %add3A_757, %gather3A_763 : vector<16xf32>
      %get3A_765 = arith.constant 15 : i32
      %get3A_766 = arith.index_cast %get3A_765 : i32 to index
      %get3A_767 = arith.index_cast %mul3A_659 : i32 to index
      %get3A_768 = tpu.vector_load %arg7[%get3A_766, %get3A_767] {strides = array<i32>} : memref<26x512xi32, #tpu.memory_space<vmem>>, vector<16xi32>,
      %add3A_769 = arith.addi %get3A_768, %gather3A_54 : vector<16xi32>
      %gather3A_770 = tpu.vector_load_idx %arg6[%add3A_769] : memref<26000xf32, #tpu.memory_space<vmem>>[vector<16xi32>], vector<16xf32>,
      %add3A_771 = arith.addf %add3A_764, %gather3A_770 : vector<16xf32>
      %get3A_772 = arith.constant 16 : i32
      %get3A_773 = arith.index_cast %get3A_772 : i32 to index
      %get3A_774 = arith.index_cast %mul3A_659 : i32 to index
      %get3A_775 = tpu.vector_load %arg7[%get3A_773, %get3A_774] {strides = array<i32>} : memref<26x512xi32, #tpu.memory_space<vmem>>, vector<16xi32>,
      %add3A_776 = arith.addi %get3A_775, %gather3A_57 : vector<16xi32>
      %gather3A_777 = tpu.vector_load_idx %arg6[%add3A_776] : memref<26000xf32, #tpu.memory_space<vmem>>[vector<16xi32>], vector<16xf32>,
      %add3A_778 = arith.addf %add3A_771, %gather3A_777 : vector<16xf32>
      %get3A_779 = arith.constant 17 : i32
      %get3A_780 = arith.index_cast %get3A_779 : i32 to index
      %get3A_781 = arith.index_cast %mul3A_659 : i32 to index
      %get3A_782 = tpu.vector_load %arg7[%get3A_780, %get3A_781] {strides = array<i32>} : memref<26x512xi32, #tpu.memory_space<vmem>>, vector<16xi32>,
      %add3A_783 = arith.addi %get3A_782, %gather3A_60 : vector<16xi32>
      %gather3A_784 = tpu.vector_load_idx %arg6[%add3A_783] : memref<26000xf32, #tpu.memory_space<vmem>>[vector<16xi32>], vector<16xf32>,
      %add3A_785 = arith.addf %add3A_778, %gather3A_784 : vector<16xf32>
      %get3A_786 = arith.constant 18 : i32
      %get3A_787 = arith.index_cast %get3A_786 : i32 to index
      %get3A_788 = arith.index_cast %mul3A_659 : i32 to index
      %get3A_789 = tpu.vector_load %arg7[%get3A_787, %get3A_788] {strides = array<i32>} : memref<26x512xi32, #tpu.memory_space<vmem>>, vector<16xi32>,
      %add3A_790 = arith.addi %get3A_789, %gather3A_63 : vector<16xi32>
      %gather3A_791 = tpu.vector_load_idx %arg6[%add3A_790] : memref<26000xf32, #tpu.memory_space<vmem>>[vector<16xi32>], vector<16xf32>,
      %add3A_792 = arith.addf %add3A_785, %gather3A_791 : vector<16xf32>
      %get3A_793 = arith.constant 19 : i32
      %get3A_794 = arith.index_cast %get3A_793 : i32 to index
      %get3A_795 = arith.index_cast %mul3A_659 : i32 to index
      %get3A_796 = tpu.vector_load %arg7[%get3A_794, %get3A_795] {strides = array<i32>} : memref<26x512xi32, #tpu.memory_space<vmem>>, vector<16xi32>,
      %add3A_797 = arith.addi %get3A_796, %gather3A_66 : vector<16xi32>
      %gather3A_798 = tpu.vector_load_idx %arg6[%add3A_797] : memref<26000xf32, #tpu.memory_space<vmem>>[vector<16xi32>], vector<16xf32>,
      %add3A_799 = arith.addf %add3A_792, %gather3A_798 : vector<16xf32>
      %get3A_800 = arith.constant 20 : i32
      %get3A_801 = arith.index_cast %get3A_800 : i32 to index
      %get3A_802 = arith.index_cast %mul3A_659 : i32 to index
      %get3A_803 = tpu.vector_load %arg7[%get3A_801, %get3A_802] {strides = array<i32>} : memref<26x512xi32, #tpu.memory_space<vmem>>, vector<16xi32>,
      %add3A_804 = arith.addi %get3A_803, %gather3A_69 : vector<16xi32>
      %gather3A_805 = tpu.vector_load_idx %arg6[%add3A_804] : memref<26000xf32, #tpu.memory_space<vmem>>[vector<16xi32>], vector<16xf32>,
      %add3A_806 = arith.addf %add3A_799, %gather3A_805 : vector<16xf32>
      %get3A_807 = arith.constant 21 : i32
      %get3A_808 = arith.index_cast %get3A_807 : i32 to index
      %get3A_809 = arith.index_cast %mul3A_659 : i32 to index
      %get3A_810 = tpu.vector_load %arg7[%get3A_808, %get3A_809] {strides = array<i32>} : memref<26x512xi32, #tpu.memory_space<vmem>>, vector<16xi32>,
      %add3A_811 = arith.addi %get3A_810, %gather3A_72 : vector<16xi32>
      %gather3A_812 = tpu.vector_load_idx %arg6[%add3A_811] : memref<26000xf32, #tpu.memory_space<vmem>>[vector<16xi32>], vector<16xf32>,
      %add3A_813 = arith.addf %add3A_806, %gather3A_812 : vector<16xf32>
      %get3A_814 = arith.constant 22 : i32
      %get3A_815 = arith.index_cast %get3A_814 : i32 to index
      %get3A_816 = arith.index_cast %mul3A_659 : i32 to index
      %get3A_817 = tpu.vector_load %arg7[%get3A_815, %get3A_816] {strides = array<i32>} : memref<26x512xi32, #tpu.memory_space<vmem>>, vector<16xi32>,
      %add3A_818 = arith.addi %get3A_817, %gather3A_75 : vector<16xi32>
      %gather3A_819 = tpu.vector_load_idx %arg6[%add3A_818] : memref<26000xf32, #tpu.memory_space<vmem>>[vector<16xi32>], vector<16xf32>,
      %add3A_820 = arith.addf %add3A_813, %gather3A_819 : vector<16xf32>
      %get3A_821 = arith.constant 23 : i32
      %get3A_822 = arith.index_cast %get3A_821 : i32 to index
      %get3A_823 = arith.index_cast %mul3A_659 : i32 to index
      %get3A_824 = tpu.vector_load %arg7[%get3A_822, %get3A_823] {strides = array<i32>} : memref<26x512xi32, #tpu.memory_space<vmem>>, vector<16xi32>,
      %add3A_825 = arith.addi %get3A_824, %gather3A_78 : vector<16xi32>
      %gather3A_826 = tpu.vector_load_idx %arg6[%add3A_825] : memref<26000xf32, #tpu.memory_space<vmem>>[vector<16xi32>], vector<16xf32>,
      %add3A_827 = arith.addf %add3A_820, %gather3A_826 : vector<16xf32>
      %get3A_828 = arith.constant 24 : i32
      %get3A_829 = arith.index_cast %get3A_828 : i32 to index
      %get3A_830 = arith.index_cast %mul3A_659 : i32 to index
      %get3A_831 = tpu.vector_load %arg7[%get3A_829, %get3A_830] {strides = array<i32>} : memref<26x512xi32, #tpu.memory_space<vmem>>, vector<16xi32>,
      %add3A_832 = arith.addi %get3A_831, %gather3A_81 : vector<16xi32>
      %gather3A_833 = tpu.vector_load_idx %arg6[%add3A_832] : memref<26000xf32, #tpu.memory_space<vmem>>[vector<16xi32>], vector<16xf32>,
      %add3A_834 = arith.addf %add3A_827, %gather3A_833 : vector<16xf32>
      %get3A_835 = arith.constant 25 : i32
      %get3A_836 = arith.index_cast %get3A_835 : i32 to index
      %get3A_837 = arith.index_cast %mul3A_659 : i32 to index
      %get3A_838 = tpu.vector_load %arg7[%get3A_836, %get3A_837] {strides = array<i32>} : memref<26x512xi32, #tpu.memory_space<vmem>>, vector<16xi32>,
      %add3A_839 = arith.addi %get3A_838, %gather3A_84 : vector<16xi32>
      %gather3A_840 = tpu.vector_load_idx %arg6[%add3A_839] : memref<26000xf32, #tpu.memory_space<vmem>>[vector<16xi32>], vector<16xf32>,
      %add3A_841 = arith.addf %add3A_834, %gather3A_840 : vector<16xf32>
      %swap3A_842 = arith.index_cast %mul3A_659 : i32 to index
      %swap3A_843 = tpu.vector_load %arg8[%swap3A_842] {strides = array<i32>} : memref<512xf32, #tpu.memory_space<vmem>>, vector<16xf32>,
      tpu.vector_store %arg8[%swap3A_842], %add3A_841 {strides = array<i32>} : memref<512xf32, #tpu.memory_space<vmem>>, vector<16xf32>,
    }
    %scan3A_92 = arith.constant 32 : i32
    %mul3A_93 = arith.constant 512 : i32
    %mul3A_94 = arith.muli %add3A, %mul3A_93 : i32
    "tpu.region"() ({
      %run_scoped3A = tpu.sem_alloc : memref<!tpu.dma_semaphore, #tpu.memory_space<semaphore_mem>>
      %dma_start3A_95 = tpu.memref_slice %arg5[%mul3A_94] : memref<16384xf32, #tpu.memory_space<hbm>> -> memref<512xf32, #tpu.memory_space<hbm>>
      %dma_start3A_96 = tpu.memref_slice %arg5[%mul3A_94] : memref<16384xf32, #tpu.memory_space<hbm>> -> memref<512xf32, #tpu.memory_space<hbm>>
      tpu.enqueue_dma source(%arg8 : memref<512xf32, #tpu.memory_space<vmem>>) target(%dma_start3A_96 : memref<512xf32, #tpu.memory_space<hbm>>) target_semaphore(%run_scoped3A : memref<!tpu.dma_semaphore, #tpu.memory_space<semaphore_mem>>)
      %dma_wait3A_97 = tpu.memref_slice %arg5[%mul3A_94] : memref<16384xf32, #tpu.memory_space<hbm>> -> memref<512xf32, #tpu.memory_space<hbm>>
      %dma_wait3A_98 = tpu.memref_slice %arg5[%mul3A_94] : memref<16384xf32, #tpu.memory_space<hbm>> -> memref<512xf32, #tpu.memory_space<hbm>>
      tpu.wait_dma2 semaphore(%run_scoped3A : memref<!tpu.dma_semaphore, #tpu.memory_space<semaphore_mem>>) src(%arg8 : memref<512xf32, #tpu.memory_space<vmem>>) dst(%dma_wait3A_98 : memref<512xf32, #tpu.memory_space<hbm>>)
      tpu.yield
    }) : () -> ()
    return
  }
}

</mosaic_0001>

<sc_bundles>
// kernel: kernel.3.cloned.1.call-start
scs
__scs_entry_jumppad:
0x0: {  	(pc) =	sbr.rel $0x88, $3  }
0x1: {  	(tag) =	ssettag $0x0;
	lr =	simm.s32 $0x1  }
0x2: {  	[smem:$0x3F9D] =	sst lr;
	_ =	strace $0xD0000000  }
0x3: {  	_ = 	snop  }
0x4: {  	_ = 	snop  }
0x5: {  	_ = 	snop  }
0x6: {  	_ = 	snop  }
0x7: {  	_ = 	snop  }
__scs_overlays_trampoline_lowered:
0x8: {  	[smem:$0x3FAC] =	sst s0  }
0x9: {  	[smem:$0x3FAD] =	sst s1  }
0xa: {  	[smem:$0x3FAE] =	sst s2  }
0xb: {  	[smem:$0x3FAF] =	sst s3  }
0xc: {  	[smem:$0x3FB0] =	sst s4  }
0xd: {  	[smem:$0x3FB1] =	sst s5  }
0xe: {  	[smem:$0x3FB2] =	sst s6  }
0xf: {  	[smem:$0x3FB3] =	sst s7  }
0x10: {  	[smem:$0x3FB4] =	sst s8  }
0x11: {  	[smem:$0x3FB5] =	sst s9;
	s0 =	simm.s32 @!p0 $0x0  }
0x12: {  	s1 =	sld [smem:$0x3F9B];
	s0 =	simm.s32 @p0 $0x1  }
0x13: {  	[smem:$0x3FB6] =	sst s0;
	s0 =	simm.s32 @!p1 $0x0  }
0x14: {  	s2 =	sld [smem:$0x3F9A];
	s0 =	simm.s32 @p1 $0x1  }
0x15: {  	[smem:$0x3FB7] =	sst s0;
	s0 =	simm.s32 @!p2 $0x0  }
0x16: {  	s3 =	sld [smem:$0x3FDB];
	s0 =	simm.s32 @p2 $0x1  }
0x17: {  	s4 =	simm.s32 $0x1BF5;
	[smem:$0x3FB9] =	sst s0  }
0x18: {  	s0 =	sld [smem:$0x3F9C];
	_ =	swait.ge [sflag:s4], $0x0  }
0x19: {  	s7 =	sld [smem:$0x3F9D]  }
0x1a: {  	s8 =	sadd.s32 $0xFFFFE003, lr  }
0x1b: {  	s9 =	sadd.s32 $0xFFFFFEF7, lr;
	s5 =	simm.s32 $0xFFFFFFFF;
	p2 =	slt.u32 s8, $0xFFFFF086  }
0x1c: {  	p1 =	slt.u32 s9, $0xF7A;
	s5 =	simm.s32 @!p2 $0x0  }
0x1d: {  	s5 =	simm.s32 @p1 $0x1;
	p0 =	seq.s32 s7, s2  }
0x1e: {  	s7 =	smul.u32 @!p0 $0xF7A, s2;
	p2 =	seq.s32 @!p0 s5, $0x0  }
0x1f: {  	s9 =	smul.u32 $0xF7A, s1;
	s8 =	simm.s32 @!p0 $0x1BF5;
	p2 =	por !p2, p0  }
0x20: {  	[sflag:s8] =	ssyncset.s32 @!p0 $0xFFFFF086;
	s6 =	sadd.s32 @!p0 s3, s7;
	s7 =	simm.s32 @!p0 $0x108  }
0x21: {  	s3 =	sadd.s32 s3, s9;
	s6 =	sadd.s32 @!p0 $0x88, s6;
	s7 =	simm.s32 @p2 $0x1082  }
0x22: {  	[simem:s7], [sflag:s8] =	dma.local @!p0 [hbm:s6], $0xF7A  }
0x23: {  	s9 =	sor.u32 $0xD0000000, s2;
	s6 =	simm.s32 $0x108;
	_ =	swait.ge @!p0 [sflag:s8], $0x0  }
0x24: {  	s3 =	sadd.s32 $0x88, s3;
	s6 =	simm.s32 @!p1 $0x1082;
	[sflag:s4] =	ssyncset.s32 $0xFFFFF086  }
0x25: {  	[simem:s6], [sflag:s4] =	dma.local [hbm:s3], $0xF7A  }
0x26: {  	[smem:$0x3F9D] =	sst s1;
	(tag) =	ssettag s2;
	_ =	strace s9  }
0x27: {  	s1 =	sld [smem:$0x3FAD]  }
0x28: {  	s2 =	sld [smem:$0x3FAE]  }
0x29: {  	s4 =	sld [smem:$0x3FB0]  }
0x2a: {  	p0 =	seq.s32 s5, $0x0;
	s5 =	sld [smem:$0x3FB1]  }
0x2b: {  	s6 =	sld [smem:$0x3FB2]  }
0x2c: {  	s7 =	sld [smem:$0x3FB3]  }
0x2d: {  	s3 =	simm.s32 $0x108;
	s8 =	sld [smem:$0x3FB4]  }
0x2e: {  	s3 =	simm.s32 @!p0 $0x1082;
	s9 =	sld [smem:$0x3FB5]  }
0x2f: {  	lr =	sadd.s32 s0, s3;
	s0 =	sld [smem:$0x3FAC]  }
0x30: {  	s3 =	sld [smem:$0x3FAF]  }
0x31: {  	[smem:$0x3FB8] =	sst s10  }
0x32: {  	s10 =	sld [smem:$0x3FB6];
	_ =	sdelay $0x3  }
0x33: {  	p0 =	seq.s32 s10, $0x1;
	s10 =	sld [smem:$0x3FB8];
	_ =	sdelay $0x3  }
0x34: {  	[smem:$0x3FB8] =	sst s10  }
0x35: {  	s10 =	sld [smem:$0x3FB7];
	_ =	sdelay $0x3  }
0x36: {  	p1 =	seq.s32 s10, $0x1;
	s10 =	sld [smem:$0x3FB8];
	_ =	sdelay $0x3  }
0x37: {  	[smem:$0x3FB8] =	sst s10  }
0x38: {  	s10 =	sld [smem:$0x3FB9]  }
0x39: {  	_ = 	snop;
	(pc) =	sbr.ind lr, $3  }
0x3a: {  	_ = 	snop  }
0x3b: {  	_ = 	snop  }
0x3c: {  	p2 =	seq.s32 s10, $0x1;
	s10 =	sld [smem:$0x3FB8]  }
0x3d: {  	_ =	shalt  }
0x3e: {  	_ =	shalt  }
0x3f: {  	_ =	shalt  }
0x40: {  	_ =	shalt  }
0x41: {  	_ =	shalt  }
0x42: {  	_ =	shalt  }
0x43: {  	_ =	shalt  }
0x44: {  	_ =	shalt  }
0x45: {  	_ =	shalt  }
0x46: {  	_ =	shalt  }
0x47: {  	_ =	shalt  }
0x48: {  	_ =	shalt  }
0x49: {  	_ =	shalt  }
0x4a: {  	_ =	shalt  }
0x4b: {  	_ =	shalt  }
0x4c: {  	_ =	shalt  }
0x4d: {  	_ =	shalt  }
0x4e: {  	_ =	shalt  }
0x4f: {  	_ =	shalt  }
0x50: {  	_ =	shalt  }
0x51: {  	_ =	shalt  }
0x52: {  	_ =	shalt  }
0x53: {  	_ =	shalt  }
0x54: {  	_ =	shalt  }
0x55: {  	_ =	shalt  }
0x56: {  	_ =	shalt  }
0x57: {  	_ =	shalt  }
0x58: {  	_ =	shalt  }
0x59: {  	_ =	shalt  }
0x5a: {  	_ =	shalt  }
0x5b: {  	_ =	shalt  }
0x5c: {  	_ =	shalt  }
0x5d: {  	_ =	shalt  }
0x5e: {  	_ =	shalt  }
0x5f: {  	_ =	shalt  }
0x60: {  	_ =	shalt  }
0x61: {  	_ =	shalt  }
0x62: {  	_ =	shalt  }
0x63: {  	_ =	shalt  }
0x64: {  	_ =	shalt  }
0x65: {  	_ =	shalt  }
0x66: {  	_ =	shalt  }
0x67: {  	_ =	shalt  }
0x68: {  	_ =	shalt  }
0x69: {  	_ =	shalt  }
0x6a: {  	_ =	shalt  }
0x6b: {  	_ =	shalt  }
0x6c: {  	_ =	shalt  }
0x6d: {  	_ =	shalt  }
0x6e: {  	_ =	shalt  }
0x6f: {  	_ =	shalt  }
0x70: {  	_ =	shalt  }
0x71: {  	_ =	shalt  }
0x72: {  	_ =	shalt  }
0x73: {  	_ =	shalt  }
0x74: {  	_ =	shalt  }
0x75: {  	_ =	shalt  }
0x76: {  	_ =	shalt  }
0x77: {  	_ =	shalt  }
0x78: {  	_ =	shalt  }
0x79: {  	_ =	shalt  }
0x7a: {  	_ =	shalt  }
0x7b: {  	_ =	shalt  }
0x7c: {  	_ =	shalt  }
0x7d: {  	_ =	shalt  }
0x7e: {  	_ =	shalt  }
0x7f: {  	_ =	shalt  }
0x80: {  	_ =	shalt  }
0x81: {  	_ =	shalt  }
0x82: {  	_ =	shalt  }
0x83: {  	_ =	shalt  }
0x84: {  	_ =	shalt  }
0x85: {  	_ =	shalt  }
0x86: {  	_ =	shalt  }
0x87: {  	_ =	shalt  }
.Lfunc_end0:
.L_simem_size_0:
called_computation_lowered:
.L_overlay_start_0:
0x88: {  	s2 =	sld [smem:$0x3FD9]  }
0x89: {  	s3 =	sld [smem:$0x3FFE];
	_ =	sdelay $0x1  }
0x8a: {  	s1 =	srdreg.scid  }
0x8b: {  	s0 =	sand.u32 $0x1, s1  }
0x8c: {  	s17 =	sshll.u32 s0, $0xA;
	s2 =	sadd.s32 s3, s2  }
0x8d: {  	s2 =	sadd.s32 s2, s17  }
0x8e: {  	[smem:$0x3FC4] =	sst s2  }
0x8f: {  	_ = 	snop  }
0x90: {  	s2 =	sld [smem:$0x3FC9]  }
0x91: {  	s18 =	sld [smem:$0x3FD0];
	(tm) =	ssettm $0x1  }
0x92: {  	s4 =	sld [smem:$0x3FFB];
	_ =	sdelay $0x3  }
0x93: {  	_ =	strace s4  }
0x94: {  	s4 =	sld [smem:$0x3FFC];
	_ =	sdelay $0x3  }
0x95: {  	_ =	strace s4  }
0x96: {  	s4 =	sld [smem:$0x3FFD];
	_ =	sdelay $0x3  }
0x97: {  	_ =	strace s4  }
0x98: {  	_ =	strace $0x8FFFFFFF  }
0x99: {  	s19 =	sld [smem:$0x3FDB];
	_ =	sdelay $0x1  }
0x9a: {  	s5 =	simm.s32 $_scs_section_size  }
0x9b: {  	s6 =	simm.s32 $_size__tile_overlayer_lowered;
	s7 =	simm.s32 $_tile_overlayer_lowered  }
0x9c: {  	s22 =	simm.s32 $0x1BFF;
	s21 =	sshll.u32 s7, $0x1;
	s4 =	sadd.s32 s5, s19  }
0x9d: {  	s8 =	simm.s32 $0x0;
	s20 =	sshll.u32 s6, $0x1;
	s6 =	sadd.s32 s21, s4  }
0x9e: {  	[timem:s8], [sflag:s22] =	dma.local [hbm:s6], s20  }
0x9f: {  	_ =	swait.ge [sflag:s22], s20  }
0xa0: {  	s5 =	ssub.s32 $0x0, s20;
	[sflag:s22] =	ssyncset.done $0x0  }
0xa1: {  	[sflag:s22] =	ssyncadd.s32 s5;
	_ =	sdelay $0x1  }
0xa2: {  	s23 =	simm.s32 $0x1B8B  }
0xa3: {  	_ =	swait.ge [sflag:s23], $0x1  }
0xa4: {  	[sflag:s23] =	ssyncset.done $0x0  }
0xa5: {  	s25 =	simm.s32 $0x1B8E;
	s24 =	sld [smem:$0x3FFE];
	[sflag:s23] =	ssyncadd.s32 $0xFFFFFFFF  }
0xa6: {  	s26 =	simm.s32 $execute0_lowered;
	[smem:$0x3FD2] =	sst s25  }
0xa7: {  	s6 =	sshll.u32 s26, $0x1;
	_ =	strace $0x80000046;
	[dreg:$0x1] =	wrdreg $0xFFFFFFFF  }
0xa8: {  	s28 =	simm.s32 $_size_execute0_lowered;
	s4 =	sadd.s32 s4, s6;
	[dreg:$0x0] =	wrdreg $0x0  }
0xa9: {  	s6 =	sshll.u32 s28, $0x1;
	[dreg:$0x2] =	wrdreg s4  }
0xaa: {  	[dreg:$0x3] =	wrdreg s6  }
0xab: {  	[dreg:$0x4] =	wrdreg $0xC0  }
0xac: {  	_ =	task [dreg:s8], $0x5FFFF  }
0xad: {  	[dreg:$0x1] =	wrdreg $0xFFFFFFFF  }
0xae: {  	[dreg:$0x0] =	wrdreg $0x60  }
0xaf: {  	[dreg:$0x2] =	wrdreg s2  }
0xb0: {  	[dreg:$0x3] =	wrdreg s24  }
0xb1: {  	[dreg:$0x4] =	wrdreg s18  }
0xb2: {  	[dreg:$0x5] =	wrdreg $0x9  }
0xb3: {  	_ =	task.clear_ibuf [dreg:s8], $0x6FFFF;
	_ =	strace $0x90000046  }
0xb4: {  	s29 =	simm.s32 $0x9;
	_ =	strace $0x80000048  }
0xb5: {  	_ =	swait.ge [sflag:s29], $0x1  }
0xb6: {  	[sflag:s29] =	ssyncadd.s32 $0xFFFFFFFF  }
0xb7: {  	_ =	strace $0x90000048  }
0xb8: {  	_ =	sfence  }
0xb9: {  	s30 =	sld [smem:$0x0];
	_ =	sdelay $0x2  }
0xba: {  	s31 =	sshll.u32 s1, $0xD;
	s1 =	sshrl.u32 s1, $0x2  }
0xbb: {  	s3 =	sand.u32 $0x4000, s31;
	s1 =	sadd.s32 s1, s30  }
0xbc: {  	s0 =	sor.u32 s3, s0;
	s1 =	sshll.u32 s1, $0x11  }
0xbd: {  	s0 =	sor.u32 s1, s0  }
0xbe: {  	s0 =	sadd.s32 $0x8F2B, s0  }
0xbf: {  	[sflag:s0] =	ssyncadd.remote.s32 $0x1  }
0xc0: {  	_ =	sfence.sel $0xFFFF  }
0xc1: {  	[dreg:$0x0] =	wrdreg $0xFFFFFFFF;
	(pc) =	sbr.abs _section_cstart, $3  }
0xc2: {  	[dreg:$0x1] =	wrdreg $0xFFFFFFFF  }
0xc3: {  	_ =	task.clear_ibuf [dreg:s8], $0x2FFFF;
	_ =	strace $0x9FFFFFFF  }
0xc4: {  	(tm) =	ssettm $0x7FFFFFFF  }
0xc5: {  	_ =	shalt  }
tec
execute0_lowered:
.L_overlay_start_1:
0x0: {  	(tag) =	ssettag $0x1  }
0x1: {  	s0 =	rddreg [dreg:$0x0]  }
0x2: {  	s2 =	rddreg [dreg:$0x1]  }
0x3: {  	s3 =	rddreg [dreg:$0x2]  }
0x4: {  	s1 =	simm.s32 $0x0;
	s4 =	srdreg.scid;
	v0 =	vimm.s32 $0x1F;
	v1 =	vimm.s32 $0x1;
	v2 =	vimm.s32 $0x2;
	s6 =	stileid.u32  }
0x5: {  	v3 =	vimm.s32 $0x3;
	v4 =	vimm.s32 $0x4;
	v5 =	vimm.s32 $0x5;
	[smem:$0x7FF] =	sst s1;
	s4 =	sand.u32 $0x1, s4;
	s6 =	sshll.u32 s6, $0xA  }
0x6: {  	v6 =	vimm.s32 $0x6;
	v7 =	vimm.s32 $0x7;
	v8 =	vimm.s32 $0x8;
	s7 =	sadd.s32 $0x400, s2;
	s2 =	sadd.s32 $0x200, s2;
	_ =	strace $0x80000047  }
0x7: {  	v9 =	vimm.s32 $0x9;
	v10 =	vimm.s32 $0xA;
	v11 =	vimm.s32 $0xB;
	s5 =	ssub.s32 $0x2, s4;
	s4 =	sshll.u32 s4, $0x9;
	[dreg:$0x4] =	wrdreg s7  }
0x8: {  	v12 =	vimm.s32 $0xC;
	v13 =	vimm.s32 $0xD;
	v14 =	vimm.s32 $0xE;
	[dreg:$0x5] =	wrdreg s2;
	s4 =	sor.u32 s4, s6  }
0x9: {  	v15 =	vimm.s32 $0xF;
	v16 =	vimm.s32 $0x10;
	v17 =	vimm.s32 $0x11;
	s26 =	sshrl.u32 s5, $0x1;
	s29 =	sshrl.u32 s4, $0x3;
	s0 =	sadd.s32 s0, s4  }
0xa: {  	v18 =	vimm.s32 $0x12;
	v19 =	vimm.s32 $0x13;
	v20 =	vimm.s32 $0x14;
	s28 =	ssub.s32 s5, s26;
	[dreg:$0x6] =	wrdreg s0;
	s30 =	sadd.s32 s3, s29  }
0xb: {  	s11 =	simm.s32 $0xA800;
	v21 =	vimm.s32 $0x15;
	v22 =	vimm.s32 $0x16;
	v23 =	vimm.s32 $0x17;
	s31 =	smax.u32 s28, $0x1;
	[dreg:$0x7] =	wrdreg s30  }
0xc: {  	s12 =	simm.s32 $0x3;
	v24 =	vimm.s32 $0x18;
	v25 =	vimm.s32 $0x19;
	v26 =	vimm.s32 $0x1A;
	s16 =	simm.s32 $0x0;
	[dreg:$0x8] =	wrdreg s31  }
.LBB2_1:
0xd: {  	s0 =	rddreg [dreg:$0x4]  }
0xe: {  	s28 =	rddreg [dreg:$0x6]  }
0xf: {  	[tilespmem:s1], [sflag:$0x1] =	stream.linear.gather [hbm4b:s0+s1], $0x6600, $0x38;
	[tilespmem:$0xA880] =	vst v63  }
0x10: {  	s2 =	simm.s32 $0x1000;
	s3 =	simm.s32 $0x20000;
	s4 =	simm.s32 $0x6600  }
0x11: {  	[tilespmem:s4], [sflag:$0x2] =	stream.strided.gather [hbm4b:s28+s2], $0x4000, s3, s2, $0x38;
	[tilespmem:$0xA880] =	vst v63  }
0x12: {  	s29 =	rddreg [dreg:$0x5]  }
0x13: {  	[tilespmem:s11], [sflag:$0x3] =	stream.linear.gather [hbm4b:s29+s1], $0x80, $0x38;
	[tilespmem:$0xA880] =	vst v63  }
0x14: {  	_ =	swait.ge [sflag:s12], $0x80  }
0x15: {  	[sflag:s12] =	ssyncset.done $0x0  }
0x16: {  	[sflag:s12] =	ssyncadd.s32 $0xFFFFFF80  }
0x17: {  	v27 =	vld.idx.msk [tilespmem:v0+s11+$0x0], $0xffff  }
0x18: {  	v28 =	vld.idx.msk [tilespmem:v1+s11+$0x0], $0xffff  }
0x19: {  	v29 =	vld.idx.msk [tilespmem:v2+s11+$0x0], $0xffff  }
0x1a: {  	v30 =	vld.idx.msk [tilespmem:v3+s11+$0x0], $0xffff  }
0x1b: {  	v31 =	vld.idx.msk [tilespmem:v4+s11+$0x0], $0xffff  }
0x1c: {  	v32 =	vld.idx.msk [tilespmem:v5+s11+$0x0], $0xffff  }
0x1d: {  	v33 =	vld.idx.msk [tilespmem:v6+s11+$0x0], $0xffff  }
0x1e: {  	v34 =	vld.idx.msk [tilespmem:v7+s11+$0x0], $0xffff  }
0x1f: {  	v35 =	vld.idx.msk [tilespmem:v8+s11+$0x0], $0xffff  }
0x20: {  	v36 =	vld.idx.msk [tilespmem:v9+s11+$0x0], $0xffff  }
0x21: {  	v37 =	vld.idx.msk [tilespmem:v10+s11+$0x0], $0xffff  }
0x22: {  	v38 =	vld.idx.msk [tilespmem:v11+s11+$0x0], $0xffff  }
0x23: {  	v39 =	vld.idx.msk [tilespmem:v12+s11+$0x0], $0xffff  }
0x24: {  	v40 =	vld.idx.msk [tilespmem:v13+s11+$0x0], $0xffff  }
0x25: {  	v41 =	vld.idx.msk [tilespmem:v14+s11+$0x0], $0xffff  }
0x26: {  	v42 =	vld.idx.msk [tilespmem:v15+s11+$0x0], $0xffff  }
0x27: {  	v43 =	vld.idx.msk [tilespmem:v16+s11+$0x0], $0xffff  }
0x28: {  	v44 =	vld.idx.msk [tilespmem:v17+s11+$0x0], $0xffff  }
0x29: {  	v45 =	vld.idx.msk [tilespmem:v18+s11+$0x0], $0xffff  }
0x2a: {  	v46 =	vld.idx.msk [tilespmem:v19+s11+$0x0], $0xffff  }
0x2b: {  	v47 =	vld.idx.msk [tilespmem:v20+s11+$0x0], $0xffff  }
0x2c: {  	v48 =	vld.idx.msk [tilespmem:v21+s11+$0x0], $0xffff  }
0x2d: {  	v49 =	vld.idx.msk [tilespmem:v22+s11+$0x0], $0xffff  }
0x2e: {  	v50 =	vld.idx.msk [tilespmem:v23+s11+$0x0], $0xffff  }
0x2f: {  	v51 =	vld.idx.msk [tilespmem:v24+s11+$0x0], $0xffff  }
0x30: {  	s30 =	simm.s32 $0x2;
	v52 =	vld.idx.msk [tilespmem:v25+s11+$0x0], $0xffff  }
0x31: {  	v53 =	vld.idx.msk [tilespmem:v26+s11+$0x0], $0xffff;
	_ =	swait.ge [sflag:s30], $0x4000  }
0x32: {  	[sflag:s30] =	ssyncset.done $0x0  }
0x33: {  	s31 =	simm.s32 $0x1;
	[sflag:s30] =	ssyncadd.s32 $0xFFFFC000  }
0x34: {  	_ =	swait.ge [sflag:s31], $0x6600  }
0x35: {  	s17 =	simm.s32 $0xFFFFFFFC;
	s18 =	simm.s32 $0xA600;
	[sflag:s31] =	ssyncset.done $0x0  }
0x36: {  	s19 =	simm.s32 $0x0;
	s20 =	simm.s32 $0x0;
	[sflag:s31] =	ssyncadd.s32 $0xFFFF9A00  }
.LBB2_2:
0x37: {  	s6 =	sand.u32 $0xC00, s20  }
0x38: {  	s23 =	sand.u32 $0x40, s19;
	s21 =	sadd.s32 $0x6600, s6  }
0x39: {  	s0 =	sor.u32 s23, s21  }
0x3a: {  	v54 =	vld [tilespmem:s0+$0x0];
	_ =	sdelay $0x1  }
0x3b: {  	v55 =	vld [tilespmem:s0+$0x80];
	_ =	sdelay $0x1  }
0x3c: {  	v56 =	vld [tilespmem:s0+$0x100]  }
0x3d: {  	v54 =	vadd.s32 v28, v54  }
0x3e: {  	v57 =	vld [tilespmem:s0+$0x180]  }
0x3f: {  	v55 =	vadd.s32 v29, v55  }
0x40: {  	v58 =	vld [tilespmem:s0+$0x200]  }
0x41: {  	v59 =	vld [tilespmem:s0+$0x280];
	v56 =	vadd.s32 v30, v56  }
0x42: {  	v54 =	vld.idx.msk [tilespmem:v54+s1+$0x0], $0xffff  }
0x43: {  	v60 =	vld [tilespmem:s0+$0x300];
	v57 =	vadd.s32 v31, v57  }
0x44: {  	v55 =	vld.idx.msk [tilespmem:v55+s1+$0x0], $0xffff  }
0x45: {  	s22 =	sadd.s32 $0x7600, s6;
	v61 =	vld [tilespmem:s0+$0x380];
	v58 =	vadd.s32 v32, v58  }
0x46: {  	s4 =	sor.u32 s23, s22;
	v56 =	vld.idx.msk [tilespmem:v56+s1+$0x0], $0xffff  }
0x47: {  	s24 =	sadd.s32 $0x7680, s6;
	v62 =	vld [tilespmem:s4+$0x0];
	v59 =	vadd.s32 v33, v59;
	v54 =	vadd.f32 v27, v54  }
0x48: {  	s5 =	sor.u32 s23, s24;
	v60 =	vadd.s32 v34, v60;
	v57 =	vld.idx.msk [tilespmem:v57+s1+$0x0], $0xffff  }
0x49: {  	s25 =	sadd.s32 $0x7700, s6;
	v54 =	vadd.f32 v55, v54;
	v55 =	vld [tilespmem:s5+$0x0]  }
0x4a: {  	s7 =	sor.u32 s23, s25;
	v61 =	vadd.s32 v35, v61;
	v58 =	vld.idx.msk [tilespmem:v58+s1+$0x0], $0xffff  }
0x4b: {  	v54 =	vadd.f32 v56, v54;
	v56 =	vld [tilespmem:s7+$0x0]  }
0x4c: {  	s26 =	sadd.s32 $0x7780, s6;
	v62 =	vadd.s32 v36, v62;
	v59 =	vld.idx.msk [tilespmem:v59+s1+$0x0], $0xffff  }
0x4d: {  	s8 =	sor.u32 s23, s26;
	v54 =	vadd.f32 v57, v54;
	v57 =	vld.idx.msk [tilespmem:v60+s1+$0x0], $0xffff  }
0x4e: {  	s28 =	sadd.s32 $0x7800, s6;
	v60 =	vld [tilespmem:s8+$0x0];
	v55 =	vadd.s32 v37, v55  }
0x4f: {  	s9 =	sor.u32 s23, s28;
	v54 =	vadd.f32 v58, v54;
	v58 =	vld.idx.msk [tilespmem:v61+s1+$0x0], $0xffff  }
0x50: {  	s29 =	sadd.s32 $0x7880, s6;
	v61 =	vld [tilespmem:s9+$0x0];
	v56 =	vadd.s32 v38, v56  }
0x51: {  	s10 =	sor.u32 s23, s29;
	v54 =	vadd.f32 v59, v54;
	v59 =	vld.idx.msk [tilespmem:v62+s1+$0x0], $0xffff  }
0x52: {  	s30 =	sadd.s32 $0x7900, s6;
	v62 =	vld [tilespmem:s10+$0x0]  }
0x53: {  	s13 =	sor.u32 s23, s30;
	v54 =	vadd.f32 v57, v54;
	v55 =	vld.idx.msk [tilespmem:v55+s1+$0x0], $0xffff;
	v57 =	vadd.s32 v39, v60  }
0x54: {  	s31 =	sadd.s32 $0x7980, s6;
	v60 =	vld [tilespmem:s13+$0x0]  }
0x55: {  	s2 =	sor.u32 s23, s31;
	s0 =	sadd.s32 $0x8600, s6;
	v54 =	vadd.f32 v58, v54;
	v56 =	vld.idx.msk [tilespmem:v56+s1+$0x0], $0xffff;
	v58 =	vadd.s32 v40, v61  }
0x56: {  	s14 =	sor.u32 s23, s0;
	v61 =	vld [tilespmem:s2+$0x0]  }
0x57: {  	s2 =	sadd.s32 $0x8680, s6;
	v54 =	vadd.f32 v59, v54;
	v59 =	vadd.s32 v41, v62;
	v62 =	vld [tilespmem:s14+$0x0]  }
0x58: {  	s3 =	sor.u32 s23, s2;
	v57 =	vld.idx.msk [tilespmem:v57+s1+$0x0], $0xffff  }
0x59: {  	s8 =	sadd.s32 $0x8700, s6;
	v54 =	vadd.f32 v55, v54;
	v55 =	vadd.s32 v42, v60;
	v60 =	vld [tilespmem:s3+$0x0]  }
0x5a: {  	s15 =	sor.u32 s23, s8;
	v58 =	vld.idx.msk [tilespmem:v58+s1+$0x0], $0xffff  }
0x5b: {  	s9 =	sadd.s32 $0x8780, s6;
	v54 =	vadd.f32 v56, v54;
	v56 =	vadd.s32 v43, v61;
	v61 =	vld [tilespmem:s15+$0x0]  }
0x5c: {  	s4 =	sor.u32 s23, s9;
	v59 =	vld.idx.msk [tilespmem:v59+s1+$0x0], $0xffff;
	v62 =	vadd.s32 v44, v62  }
0x5d: {  	s10 =	sadd.s32 $0x8800, s6;
	v54 =	vadd.f32 v57, v54;
	v57 =	vld [tilespmem:s4+$0x0]  }
0x5e: {  	s5 =	sor.u32 s23, s10;
	v55 =	vld.idx.msk [tilespmem:v55+s1+$0x0], $0xffff;
	v60 =	vadd.s32 v45, v60  }
0x5f: {  	v54 =	vadd.f32 v58, v54;
	v58 =	vld [tilespmem:s5+$0x0]  }
0x60: {  	s15 =	sadd.s32 $0x8880, s6;
	v56 =	vld.idx.msk [tilespmem:v56+s1+$0x0], $0xffff;
	v61 =	vadd.s32 v46, v61  }
0x61: {  	s7 =	sor.u32 s23, s15;
	v54 =	vadd.f32 v59, v54;
	v59 =	vld.idx.msk [tilespmem:v62+s1+$0x0], $0xffff  }
0x62: {  	s3 =	sadd.s32 $0x8900, s6;
	v62 =	vld [tilespmem:s7+$0x0];
	v57 =	vadd.s32 v47, v57  }
0x63: {  	s4 =	sor.u32 s23, s3;
	v54 =	vadd.f32 v55, v54;
	v55 =	vld.idx.msk [tilespmem:v60+s1+$0x0], $0xffff  }
0x64: {  	v60 =	vld [tilespmem:s4+$0x0];
	s4 =	sadd.s32 $0x8980, s6;
	v58 =	vadd.s32 v48, v58  }
0x65: {  	s5 =	sor.u32 s23, s4;
	v54 =	vadd.f32 v56, v54;
	v56 =	vld.idx.msk [tilespmem:v61+s1+$0x0], $0xffff  }
0x66: {  	v61 =	vld [tilespmem:s5+$0x0];
	s5 =	sadd.s32 $0x9600, s6  }
0x67: {  	s7 =	sor.u32 s23, s5;
	v54 =	vadd.f32 v59, v54;
	v57 =	vld.idx.msk [tilespmem:v57+s1+$0x0], $0xffff;
	v59 =	vadd.s32 v49, v62  }
0x68: {  	s6 =	sadd.s32 $0x9680, s6;
	v62 =	vld [tilespmem:s7+$0x0]  }
0x69: {  	s13 =	sor.u32 s23, s6;
	v54 =	vadd.f32 v55, v54;
	v55 =	vld.idx.msk [tilespmem:v58+s1+$0x0], $0xffff;
	v58 =	vadd.s32 v50, v60  }
0x6a: {  	v60 =	vld [tilespmem:s13+$0x0]  }
0x6b: {  	v54 =	vadd.f32 v56, v54;
	v56 =	vadd.s32 v51, v61  }
0x6c: {  	v59 =	vld.idx.msk [tilespmem:v59+s1+$0x0], $0xffff  }
0x6d: {  	v63 =	vadd.s32 v52, v62;
	v54 =	vadd.f32 v57, v54  }
0x6e: {  	v58 =	vld.idx.msk [tilespmem:v58+s1+$0x0], $0xffff  }
0x6f: {  	v61 =	vadd.s32 v53, v60;
	v54 =	vadd.f32 v55, v54  }
0x70: {  	v56 =	vld.idx.msk [tilespmem:v56+s1+$0x0], $0xffff  }
0x71: {  	v54 =	vadd.f32 v59, v54  }
0x72: {  	v57 =	vld.idx.msk [tilespmem:v63+s1+$0x0], $0xffff  }
0x73: {  	v54 =	vadd.f32 v58, v54  }
0x74: {  	v55 =	vld.idx.msk [tilespmem:v61+s1+$0x0], $0xffff  }
0x75: {  	v54 =	vadd.f32 v56, v54;
	_ =	sdelay $0x1  }
0x76: {  	v54 =	vadd.f32 v57, v54;
	_ =	sdelay $0x1  }
0x77: {  	v54 =	vadd.f32 v55, v54  }
0x78: {  	s13 =	sor.u32 $0x10, s23  }
0x79: {  	s14 =	sor.u32 s13, s21;
	[tilespmem:s18+$0x0] =	vst v54  }
0x7a: {  	v54 =	vld [tilespmem:s14+$0x0];
	_ =	sdelay $0x1  }
0x7b: {  	v62 =	vld [tilespmem:s14+$0x80];
	_ =	sdelay $0x1  }
0x7c: {  	v63 =	vld [tilespmem:s14+$0x100]  }
0x7d: {  	v54 =	vadd.s32 v28, v54  }
0x7e: {  	v60 =	vld [tilespmem:s14+$0x180]  }
0x7f: {  	v55 =	vadd.s32 v29, v62  }
0x80: {  	v58 =	vld [tilespmem:s14+$0x200]  }
0x81: {  	v59 =	vld [tilespmem:s14+$0x280];
	v56 =	vadd.s32 v30, v63  }
0x82: {  	v54 =	vld.idx.msk [tilespmem:v54+s1+$0x0], $0xffff  }
0x83: {  	v57 =	vadd.s32 v31, v60;
	v60 =	vld [tilespmem:s14+$0x300]  }
0x84: {  	v55 =	vld.idx.msk [tilespmem:v55+s1+$0x0], $0xffff  }
0x85: {  	v61 =	vld [tilespmem:s14+$0x380];
	v58 =	vadd.s32 v32, v58  }
0x86: {  	s14 =	sor.u32 s13, s22;
	v56 =	vld.idx.msk [tilespmem:v56+s1+$0x0], $0xffff  }
0x87: {  	v59 =	vadd.s32 v33, v59;
	v62 =	vld [tilespmem:s14+$0x0];
	v54 =	vadd.f32 v27, v54  }
0x88: {  	s14 =	sor.u32 s13, s24;
	v57 =	vld.idx.msk [tilespmem:v57+s1+$0x0], $0xffff;
	v60 =	vadd.s32 v34, v60  }
0x89: {  	v54 =	vadd.f32 v55, v54;
	v55 =	vld [tilespmem:s14+$0x0]  }
0x8a: {  	v61 =	vadd.s32 v35, v61;
	v58 =	vld.idx.msk [tilespmem:v58+s1+$0x0], $0xffff;
	s14 =	sor.u32 s13, s25  }
0x8b: {  	v54 =	vadd.f32 v56, v54;
	v56 =	vld [tilespmem:s14+$0x0]  }
0x8c: {  	v59 =	vld.idx.msk [tilespmem:v59+s1+$0x0], $0xffff;
	v62 =	vadd.s32 v36, v62  }
0x8d: {  	s14 =	sor.u32 s13, s26;
	v54 =	vadd.f32 v57, v54;
	v57 =	vld.idx.msk [tilespmem:v60+s1+$0x0], $0xffff  }
0x8e: {  	v60 =	vld [tilespmem:s14+$0x0];
	v55 =	vadd.s32 v37, v55  }
0x8f: {  	s14 =	sor.u32 s13, s28;
	v54 =	vadd.f32 v58, v54;
	v58 =	vld.idx.msk [tilespmem:v61+s1+$0x0], $0xffff  }
0x90: {  	v61 =	vld [tilespmem:s14+$0x0];
	v56 =	vadd.s32 v38, v56  }
0x91: {  	s14 =	sor.u32 s13, s29;
	v54 =	vadd.f32 v59, v54;
	v59 =	vld.idx.msk [tilespmem:v62+s1+$0x0], $0xffff  }
0x92: {  	v62 =	vld [tilespmem:s14+$0x0]  }
0x93: {  	s14 =	sor.u32 s13, s30;
	v54 =	vadd.f32 v57, v54;
	v55 =	vld.idx.msk [tilespmem:v55+s1+$0x0], $0xffff;
	v57 =	vadd.s32 v39, v60  }
0x94: {  	v60 =	vld [tilespmem:s14+$0x0]  }
0x95: {  	s14 =	sor.u32 s13, s31;
	v54 =	vadd.f32 v58, v54;
	v56 =	vld.idx.msk [tilespmem:v56+s1+$0x0], $0xffff;
	v58 =	vadd.s32 v40, v61  }
0x96: {  	v61 =	vld [tilespmem:s14+$0x0];
	s14 =	sor.u32 s13, s0  }
0x97: {  	v54 =	vadd.f32 v59, v54;
	v59 =	vadd.s32 v41, v62;
	v62 =	vld [tilespmem:s14+$0x0]  }
0x98: {  	s14 =	sor.u32 s13, s2;
	v57 =	vld.idx.msk [tilespmem:v57+s1+$0x0], $0xffff  }
0x99: {  	v54 =	vadd.f32 v55, v54;
	v55 =	vadd.s32 v42, v60;
	v60 =	vld [tilespmem:s14+$0x0]  }
0x9a: {  	s14 =	sor.u32 s13, s8;
	v58 =	vld.idx.msk [tilespmem:v58+s1+$0x0], $0xffff  }
0x9b: {  	v54 =	vadd.f32 v56, v54;
	v56 =	vadd.s32 v43, v61;
	v61 =	vld [tilespmem:s14+$0x0]  }
0x9c: {  	s14 =	sor.u32 s13, s9;
	v59 =	vld.idx.msk [tilespmem:v59+s1+$0x0], $0xffff;
	v62 =	vadd.s32 v44, v62  }
0x9d: {  	v54 =	vadd.f32 v57, v54;
	v57 =	vld [tilespmem:s14+$0x0]  }
0x9e: {  	s14 =	sor.u32 s13, s10;
	v55 =	vld.idx.msk [tilespmem:v55+s1+$0x0], $0xffff;
	v60 =	vadd.s32 v45, v60  }
0x9f: {  	v54 =	vadd.f32 v58, v54;
	v58 =	vld [tilespmem:s14+$0x0]  }
0xa0: {  	v56 =	vld.idx.msk [tilespmem:v56+s1+$0x0], $0xffff;
	v61 =	vadd.s32 v46, v61  }
0xa1: {  	s14 =	sor.u32 s13, s15;
	v54 =	vadd.f32 v59, v54;
	v59 =	vld.idx.msk [tilespmem:v62+s1+$0x0], $0xffff  }
0xa2: {  	v62 =	vld [tilespmem:s14+$0x0];
	v57 =	vadd.s32 v47, v57  }
0xa3: {  	s14 =	sor.u32 s13, s3;
	v54 =	vadd.f32 v55, v54;
	v55 =	vld.idx.msk [tilespmem:v60+s1+$0x0], $0xffff  }
0xa4: {  	v60 =	vld [tilespmem:s14+$0x0];
	v58 =	vadd.s32 v48, v58  }
0xa5: {  	s14 =	sor.u32 s13, s4;
	v54 =	vadd.f32 v56, v54;
	v56 =	vld.idx.msk [tilespmem:v61+s1+$0x0], $0xffff  }
0xa6: {  	v61 =	vld [tilespmem:s14+$0x0]  }
0xa7: {  	s14 =	sor.u32 s13, s5;
	v54 =	vadd.f32 v59, v54;
	v57 =	vld.idx.msk [tilespmem:v57+s1+$0x0], $0xffff;
	v59 =	vadd.s32 v49, v62  }
0xa8: {  	v62 =	vld [tilespmem:s14+$0x0]  }
0xa9: {  	s14 =	sor.u32 s13, s6;
	v54 =	vadd.f32 v55, v54;
	v55 =	vld.idx.msk [tilespmem:v58+s1+$0x0], $0xffff;
	v58 =	vadd.s32 v50, v60  }
0xaa: {  	v60 =	vld [tilespmem:s14+$0x0]  }
0xab: {  	v61 =	vadd.s32 v51, v61;
	v54 =	vadd.f32 v56, v54  }
0xac: {  	v59 =	vld.idx.msk [tilespmem:v59+s1+$0x0], $0xffff  }
0xad: {  	v63 =	vadd.s32 v52, v62;
	v54 =	vadd.f32 v57, v54  }
0xae: {  	v58 =	vld.idx.msk [tilespmem:v58+s1+$0x0], $0xffff  }
0xaf: {  	v60 =	vadd.s32 v53, v60;
	v54 =	vadd.f32 v55, v54  }
0xb0: {  	v56 =	vld.idx.msk [tilespmem:v61+s1+$0x0], $0xffff  }
0xb1: {  	v54 =	vadd.f32 v59, v54  }
0xb2: {  	v57 =	vld.idx.msk [tilespmem:v63+s1+$0x0], $0xffff  }
0xb3: {  	v54 =	vadd.f32 v58, v54  }
0xb4: {  	v55 =	vld.idx.msk [tilespmem:v60+s1+$0x0], $0xffff  }
0xb5: {  	v54 =	vadd.f32 v56, v54;
	_ =	sdelay $0x1  }
0xb6: {  	v54 =	vadd.f32 v57, v54  }
0xb7: {  	s14 =	sand.u32 $0x180, s19  }
0xb8: {  	s7 =	sor.u32 $0xA600, s14;
	v54 =	vadd.f32 v55, v54  }
0xb9: {  	s14 =	sor.u32 s13, s7;
	s13 =	sor.u32 $0x20, s23  }
0xba: {  	[tilespmem:s14+$0x0] =	vst v54;
	s14 =	sor.u32 s13, s21  }
0xbb: {  	v54 =	vld [tilespmem:s14+$0x0];
	_ =	sdelay $0x1  }
0xbc: {  	v61 =	vld [tilespmem:s14+$0x80];
	_ =	sdelay $0x1  }
0xbd: {  	v62 =	vld [tilespmem:s14+$0x100]  }
0xbe: {  	v54 =	vadd.s32 v28, v54  }
0xbf: {  	v63 =	vld [tilespmem:s14+$0x180]  }
0xc0: {  	v55 =	vadd.s32 v29, v61  }
0xc1: {  	v58 =	vld [tilespmem:s14+$0x200]  }
0xc2: {  	v59 =	vld [tilespmem:s14+$0x280];
	v56 =	vadd.s32 v30, v62  }
0xc3: {  	v54 =	vld.idx.msk [tilespmem:v54+s1+$0x0], $0xffff  }
0xc4: {  	v60 =	vld [tilespmem:s14+$0x300];
	v57 =	vadd.s32 v31, v63  }
0xc5: {  	v55 =	vld.idx.msk [tilespmem:v55+s1+$0x0], $0xffff  }
0xc6: {  	v58 =	vadd.s32 v32, v58;
	v61 =	vld [tilespmem:s14+$0x380]  }
0xc7: {  	v59 =	vadd.s32 v33, v59;
	s14 =	sor.u32 s13, s22;
	v56 =	vld.idx.msk [tilespmem:v56+s1+$0x0], $0xffff  }
0xc8: {  	v62 =	vld [tilespmem:s14+$0x0];
	v54 =	vadd.f32 v27, v54  }
0xc9: {  	v60 =	vadd.s32 v34, v60;
	s14 =	sor.u32 s13, s24;
	v57 =	vld.idx.msk [tilespmem:v57+s1+$0x0], $0xffff  }
0xca: {  	v54 =	vadd.f32 v55, v54;
	v55 =	vld [tilespmem:s14+$0x0]  }
0xcb: {  	v58 =	vld.idx.msk [tilespmem:v58+s1+$0x0], $0xffff;
	v61 =	vadd.s32 v35, v61  }
0xcc: {  	s14 =	sor.u32 s13, s25;
	v54 =	vadd.f32 v56, v54;
	v56 =	vld.idx.msk [tilespmem:v59+s1+$0x0], $0xffff  }
0xcd: {  	v59 =	vadd.s32 v36, v62;
	v62 =	vld [tilespmem:s14+$0x0]  }
0xce: {  	s14 =	sor.u32 s13, s26;
	v54 =	vadd.f32 v57, v54;
	v57 =	vld.idx.msk [tilespmem:v60+s1+$0x0], $0xffff  }
0xcf: {  	v60 =	vld [tilespmem:s14+$0x0];
	v55 =	vadd.s32 v37, v55  }
0xd0: {  	s14 =	sor.u32 s13, s28;
	v54 =	vadd.f32 v58, v54;
	v58 =	vld.idx.msk [tilespmem:v61+s1+$0x0], $0xffff  }
0xd1: {  	v61 =	vld [tilespmem:s14+$0x0]  }
0xd2: {  	s14 =	sor.u32 s13, s29;
	v54 =	vadd.f32 v56, v54;
	v56 =	vld.idx.msk [tilespmem:v59+s1+$0x0], $0xffff;
	v59 =	vadd.s32 v38, v62  }
0xd3: {  	v62 =	vld [tilespmem:s14+$0x0]  }
0xd4: {  	s14 =	sor.u32 s13, s30;
	v54 =	vadd.f32 v57, v54;
	v55 =	vld.idx.msk [tilespmem:v55+s1+$0x0], $0xffff;
	v57 =	vadd.s32 v39, v60  }
0xd5: {  	v60 =	vld [tilespmem:s14+$0x0];
	s14 =	sor.u32 s13, s31  }
0xd6: {  	v54 =	vadd.f32 v58, v54;
	v58 =	vadd.s32 v40, v61;
	v61 =	vld [tilespmem:s14+$0x0]  }
0xd7: {  	s14 =	sor.u32 s13, s0;
	v59 =	vld.idx.msk [tilespmem:v59+s1+$0x0], $0xffff  }
0xd8: {  	v54 =	vadd.f32 v56, v54;
	v56 =	vadd.s32 v41, v62;
	v62 =	vld [tilespmem:s14+$0x0]  }
0xd9: {  	s14 =	sor.u32 s13, s2;
	v57 =	vld.idx.msk [tilespmem:v57+s1+$0x0], $0xffff  }
0xda: {  	v54 =	vadd.f32 v55, v54;
	v55 =	vadd.s32 v42, v60;
	v60 =	vld [tilespmem:s14+$0x0]  }
0xdb: {  	s14 =	sor.u32 s13, s8;
	v58 =	vld.idx.msk [tilespmem:v58+s1+$0x0], $0xffff;
	v61 =	vadd.s32 v43, v61  }
0xdc: {  	v54 =	vadd.f32 v59, v54;
	v59 =	vld [tilespmem:s14+$0x0]  }
0xdd: {  	s14 =	sor.u32 s13, s9;
	v56 =	vld.idx.msk [tilespmem:v56+s1+$0x0], $0xffff;
	v62 =	vadd.s32 v44, v62  }
0xde: {  	v54 =	vadd.f32 v57, v54;
	v57 =	vld [tilespmem:s14+$0x0]  }
0xdf: {  	v55 =	vld.idx.msk [tilespmem:v55+s1+$0x0], $0xffff;
	v60 =	vadd.s32 v45, v60  }
0xe0: {  	s14 =	sor.u32 s13, s10;
	v54 =	vadd.f32 v58, v54;
	v58 =	vld.idx.msk [tilespmem:v61+s1+$0x0], $0xffff  }
0xe1: {  	v61 =	vld [tilespmem:s14+$0x0];
	v59 =	vadd.s32 v46, v59  }
0xe2: {  	s14 =	sor.u32 s13, s15;
	v54 =	vadd.f32 v56, v54;
	v56 =	vld.idx.msk [tilespmem:v62+s1+$0x0], $0xffff  }
0xe3: {  	v62 =	vld [tilespmem:s14+$0x0];
	v57 =	vadd.s32 v47, v57  }
0xe4: {  	s14 =	sor.u32 s13, s3;
	v54 =	vadd.f32 v55, v54;
	v55 =	vld.idx.msk [tilespmem:v60+s1+$0x0], $0xffff  }
0xe5: {  	v60 =	vld [tilespmem:s14+$0x0]  }
0xe6: {  	s14 =	sor.u32 s13, s4;
	v54 =	vadd.f32 v58, v54;
	v58 =	vld.idx.msk [tilespmem:v59+s1+$0x0], $0xffff;
	v59 =	vadd.s32 v48, v61  }
0xe7: {  	v61 =	vld [tilespmem:s14+$0x0]  }
0xe8: {  	s14 =	sor.u32 s13, s5;
	v54 =	vadd.f32 v56, v54;
	v56 =	vld.idx.msk [tilespmem:v57+s1+$0x0], $0xffff;
	v57 =	vadd.s32 v49, v62  }
0xe9: {  	v62 =	vld [tilespmem:s14+$0x0];
	s14 =	sor.u32 s13, s6  }
0xea: {  	v63 =	vld [tilespmem:s14+$0x0];
	v60 =	vadd.s32 v50, v60;
	v54 =	vadd.f32 v55, v54  }
0xeb: {  	v59 =	vld.idx.msk [tilespmem:v59+s1+$0x0], $0xffff  }
0xec: {  	v61 =	vadd.s32 v51, v61;
	v54 =	vadd.f32 v58, v54  }
0xed: {  	v57 =	vld.idx.msk [tilespmem:v57+s1+$0x0], $0xffff  }
0xee: {  	v62 =	vadd.s32 v52, v62;
	v54 =	vadd.f32 v56, v54  }
0xef: {  	v55 =	vld.idx.msk [tilespmem:v60+s1+$0x0], $0xffff  }
0xf0: {  	v63 =	vadd.s32 v53, v63;
	v54 =	vadd.f32 v59, v54  }
0xf1: {  	v58 =	vld.idx.msk [tilespmem:v61+s1+$0x0], $0xffff  }
0xf2: {  	v54 =	vadd.f32 v57, v54  }
0xf3: {  	v56 =	vld.idx.msk [tilespmem:v62+s1+$0x0], $0xffff  }
0xf4: {  	v54 =	vadd.f32 v55, v54  }
0xf5: {  	v60 =	vld.idx.msk [tilespmem:v63+s1+$0x0], $0xffff  }
0xf6: {  	v54 =	vadd.f32 v58, v54;
	_ =	sdelay $0x1  }
0xf7: {  	v54 =	vadd.f32 v56, v54;
	_ =	sdelay $0x1  }
0xf8: {  	v54 =	vadd.f32 v60, v54  }
0xf9: {  	s14 =	sor.u32 s13, s7;
	s13 =	sor.u32 $0x30, s23  }
0xfa: {  	s21 =	sor.u32 s13, s21;
	[tilespmem:s14+$0x0] =	vst v54  }
0xfb: {  	v54 =	vld [tilespmem:s21+$0x0];
	_ =	sdelay $0x1  }
0xfc: {  	v61 =	vld [tilespmem:s21+$0x80];
	_ =	sdelay $0x1  }
0xfd: {  	v62 =	vld [tilespmem:s21+$0x100]  }
0xfe: {  	v54 =	vadd.s32 v28, v54  }
0xff: {  	v63 =	vld [tilespmem:s21+$0x180]  }
0x100: {  	v55 =	vadd.s32 v29, v61  }
0x101: {  	v58 =	vld [tilespmem:s21+$0x200]  }
0x102: {  	v59 =	vld [tilespmem:s21+$0x280];
	v56 =	vadd.s32 v30, v62  }
0x103: {  	v54 =	vld.idx.msk [tilespmem:v54+s1+$0x0], $0xffff  }
0x104: {  	v60 =	vld [tilespmem:s21+$0x300];
	v57 =	vadd.s32 v31, v63  }
0x105: {  	v55 =	vld.idx.msk [tilespmem:v55+s1+$0x0], $0xffff  }
0x106: {  	v61 =	vld [tilespmem:s21+$0x380];
	v58 =	vadd.s32 v32, v58  }
0x107: {  	s23 =	sor.u32 s13, s22;
	v59 =	vadd.s32 v33, v59;
	v56 =	vld.idx.msk [tilespmem:v56+s1+$0x0], $0xffff  }
0x108: {  	v62 =	vld [tilespmem:s23+$0x0];
	v54 =	vadd.f32 v27, v54  }
0x109: {  	s24 =	sor.u32 s13, s24;
	v57 =	vld.idx.msk [tilespmem:v57+s1+$0x0], $0xffff  }
0x10a: {  	v63 =	vld [tilespmem:s24+$0x0];
	v54 =	vadd.f32 v55, v54;
	v55 =	vadd.s32 v34, v60  }
0x10b: {  	v58 =	vld.idx.msk [tilespmem:v58+s1+$0x0], $0xffff  }
0x10c: {  	s25 =	sor.u32 s13, s25;
	v59 =	vld.idx.msk [tilespmem:v59+s1+$0x0], $0xffff;
	v54 =	vadd.f32 v56, v54;
	v56 =	vadd.s32 v35, v61  }
0x10d: {  	s26 =	sor.u32 s13, s26;
	v60 =	vld [tilespmem:s25+$0x0]  }
0x10e: {  	v61 =	vld [tilespmem:s26+$0x0];
	v54 =	vadd.f32 v57, v54;
	v57 =	vadd.s32 v36, v62  }
0x10f: {  	s28 =	sor.u32 s13, s28;
	v55 =	vld.idx.msk [tilespmem:v55+s1+$0x0], $0xffff  }
0x110: {  	v62 =	vld [tilespmem:s28+$0x0];
	v54 =	vadd.f32 v58, v54;
	v58 =	vadd.s32 v37, v63  }
0x111: {  	s29 =	sor.u32 s13, s29;
	v56 =	vld.idx.msk [tilespmem:v56+s1+$0x0], $0xffff  }
0x112: {  	v63 =	vld [tilespmem:s29+$0x0];
	v54 =	vadd.f32 v59, v54;
	v59 =	vadd.s32 v38, v60  }
0x113: {  	s30 =	sor.u32 s13, s30;
	v57 =	vld.idx.msk [tilespmem:v57+s1+$0x0], $0xffff  }
0x114: {  	v60 =	vld [tilespmem:s30+$0x0];
	v54 =	vadd.f32 v55, v54;
	v55 =	vadd.s32 v39, v61  }
0x115: {  	s31 =	sor.u32 s13, s31;
	v58 =	vld.idx.msk [tilespmem:v58+s1+$0x0], $0xffff  }
0x116: {  	v61 =	vld [tilespmem:s31+$0x0];
	v54 =	vadd.f32 v56, v54;
	v56 =	vadd.s32 v40, v62  }
0x117: {  	s0 =	sor.u32 s13, s0;
	v59 =	vld.idx.msk [tilespmem:v59+s1+$0x0], $0xffff  }
0x118: {  	v62 =	vld [tilespmem:s0+$0x0];
	v54 =	vadd.f32 v57, v54;
	v57 =	vadd.s32 v41, v63  }
0x119: {  	s21 =	sor.u32 s13, s2;
	v55 =	vld.idx.msk [tilespmem:v55+s1+$0x0], $0xffff  }
0x11a: {  	v63 =	vld [tilespmem:s21+$0x0];
	v54 =	vadd.f32 v58, v54;
	v58 =	vadd.s32 v42, v60  }
0x11b: {  	s22 =	sor.u32 s13, s8;
	v56 =	vld.idx.msk [tilespmem:v56+s1+$0x0], $0xffff  }
0x11c: {  	v60 =	vld [tilespmem:s22+$0x0];
	v54 =	vadd.f32 v59, v54;
	v59 =	vadd.s32 v43, v61  }
0x11d: {  	s23 =	sor.u32 s13, s9;
	v57 =	vld.idx.msk [tilespmem:v57+s1+$0x0], $0xffff  }
0x11e: {  	v61 =	vld [tilespmem:s23+$0x0];
	v54 =	vadd.f32 v55, v54;
	v55 =	vadd.s32 v44, v62  }
0x11f: {  	s24 =	sor.u32 s13, s10;
	v58 =	vld.idx.msk [tilespmem:v58+s1+$0x0], $0xffff  }
0x120: {  	v62 =	vld [tilespmem:s24+$0x0];
	v54 =	vadd.f32 v56, v54;
	v56 =	vadd.s32 v45, v63  }
0x121: {  	s25 =	sor.u32 s13, s15;
	v59 =	vld.idx.msk [tilespmem:v59+s1+$0x0], $0xffff  }
0x122: {  	v63 =	vld [tilespmem:s25+$0x0];
	v54 =	vadd.f32 v57, v54;
	v57 =	vadd.s32 v46, v60  }
0x123: {  	s26 =	sor.u32 s13, s3;
	v55 =	vld.idx.msk [tilespmem:v55+s1+$0x0], $0xffff  }
0x124: {  	v60 =	vld [tilespmem:s26+$0x0];
	v54 =	vadd.f32 v58, v54;
	v58 =	vadd.s32 v47, v61  }
0x125: {  	s28 =	sor.u32 s13, s4;
	v56 =	vld.idx.msk [tilespmem:v56+s1+$0x0], $0xffff  }
0x126: {  	v61 =	vld [tilespmem:s28+$0x0];
	v54 =	vadd.f32 v59, v54;
	v59 =	vadd.s32 v48, v62  }
0x127: {  	s29 =	sor.u32 s13, s5;
	v57 =	vld.idx.msk [tilespmem:v57+s1+$0x0], $0xffff  }
0x128: {  	v62 =	vld [tilespmem:s29+$0x0];
	v54 =	vadd.f32 v55, v54;
	v55 =	vadd.s32 v49, v63  }
0x129: {  	s30 =	sor.u32 s13, s6;
	v58 =	vld.idx.msk [tilespmem:v58+s1+$0x0], $0xffff  }
0x12a: {  	v63 =	vld [tilespmem:s30+$0x0];
	v54 =	vadd.f32 v56, v54;
	v56 =	vadd.s32 v50, v60  }
0x12b: {  	v59 =	vld.idx.msk [tilespmem:v59+s1+$0x0], $0xffff  }
0x12c: {  	v54 =	vadd.f32 v57, v54;
	v57 =	vadd.s32 v51, v61  }
0x12d: {  	v55 =	vld.idx.msk [tilespmem:v55+s1+$0x0], $0xffff  }
0x12e: {  	v60 =	vadd.s32 v52, v62;
	v54 =	vadd.f32 v58, v54  }
0x12f: {  	v56 =	vld.idx.msk [tilespmem:v56+s1+$0x0], $0xffff  }
0x130: {  	v61 =	vadd.s32 v53, v63;
	v54 =	vadd.f32 v59, v54  }
0x131: {  	v57 =	vld.idx.msk [tilespmem:v57+s1+$0x0], $0xffff  }
0x132: {  	v54 =	vadd.f32 v55, v54  }
0x133: {  	v62 =	vld.idx.msk [tilespmem:v60+s1+$0x0], $0xffff  }
0x134: {  	v54 =	vadd.f32 v56, v54  }
0x135: {  	v63 =	vld.idx.msk [tilespmem:v61+s1+$0x0], $0xffff  }
0x136: {  	s17 =	sadd.s32 $0x4, s17;
	v54 =	vadd.f32 v57, v54  }
0x137: {  	p0 =	slt.u32 s17, $0x1C  }
.Ltmp0:
0x138: {  	v54 =	vadd.f32 v62, v54;
	(pc) =	sbr.rel @p0 .LBB2_2-.Ltmp0, $4  }
0x139: {  	_ = 	snop  }
0x13a: {  	v54 =	vadd.f32 v63, v54  }
0x13b: {  	s31 =	sor.u32 s13, s7  }
0x13c: {  	s20 =	sadd.s32 $0x200, s20;
	s18 =	sadd.s32 $0x40, s18;
	s19 =	sadd.s32 $0x40, s19;
	[tilespmem:s31+$0x0] =	vst v54  }
0x13d: {  	s0 =	rddreg [dreg:$0x7];
	s2 =	simm.s32 $0xA600  }
0x13e: {  	[hbm4b:s0+s1] =	stream.linear.scatter [tilespmem:s2], [sflag:$0x3], $0x200, $0x38;
	[tilespmem:$0xA880] =	vst v63  }
0x13f: {  	_ =	swait.ge [sflag:s12], $0x200  }
0x140: {  	s16 =	sadd.s32 $0x1, s16;
	s31 =	rddreg [dreg:$0x8]  }
0x141: {  	p0 =	sne.s32 s16, s31  }
.Ltmp1:
0x142: {  	_ = 	snop;
	(pc) =	sbr.rel @p0 .LBB2_1-.Ltmp1, $3  }
0x143: {  	_ =	sdelay $0x1  }
0x144: {  	[sflag:s12] =	ssyncset.done $0x0  }
0x145: {  	[sflag:s12] =	ssyncadd.s32 $0xFFFFFE00  }
0x146: {  	_ =	sfence.sel $0x180000  }
0x147: {  	[bflag:$0x0] =	sbarrier.arrive $0xFFFF  }
0x148: {  	_ =	strace $0x90000047  }
0x149: {  	s0 =	stileid.u32;
	[bflag:$0x2] =	sbarrier.arrive $0xFFFF  }
0x14a: {  	p0 =	sne.s32 s0, $0x0;
	s0 =	rddreg [dreg:$0x3]  }
0x14b: {  	s0 =	sadd.s32 @!p0 $0x100000, s0  }
0x14c: {  	[sflag:s0] =	ssyncadd.tile.s32 @!p0 $0x1;
	_ =	shalt  }
.Lfunc_end2:
_tile_overlayer_lowered:
.L_overlay_start_2:
0x14d: {  	(tag) =	ssettag $0x2  }
0x14e: {  	s0 =	rddreg [dreg:$0x0];
	s2 =	stileid.u32  }
0x14f: {  	s1 =	rddreg [dreg:$0x1];
	p0 =	sne.s32 s2, $0x0  }
0x150: {  	s3 =	rddreg [dreg:$0x2];
	[bflag:$0x3] =	sbarrier.arrive $0xFFFF;
	s2 =	simm.s32 @!p0 $0x1C03  }
0x151: {  	[timem:s3], [sflag:s2] =	dma.local @!p0 [hbm:s0], s1  }
0x152: {  	s0 =	simm.s32 @!p0 $0x3  }
0x153: {  	_ =	swait.ge @!p0 [sflag:s0], s1  }
0x154: {  	s1 =	ssub.s32 @!p0 $0x0, s1;
	[sflag:s0] =	ssyncset.done @!p0 $0x0  }
0x155: {  	[sflag:s0] =	ssyncadd.s32 @!p0 s1  }
0x156: {  	[bflag:$0x3] =	sbarrier.arrive $0xFFFF  }
0x157: {  	_ =	shalt  }

</sc_bundles>
